<compile_context>
chip_gen: v7x
topology: tpu7x:2x2x1
jax: 0.10.2.dev20260603
libtpu: 0.0.44.dev20260713+nightly
codegen_flags: <defaults>
</compile_context>

<pallas_src>
import functools

import jax
import jax.numpy as jnp
from jax import lax
from jax.experimental import pallas as pl
from jax.experimental.pallas import tpu as pltpu
from jax.experimental.pallas import tpu_sc as plsc

_N = 10000
_E = 320000
_D = 128

_NC = 2
_NS = 16
_NW = _NC * _NS
_CH = 128
_NCHUNK = _E // _CH
_RPT = 624
_NBR = 2
_NBI = 4


def _sc_agg_body(feat_hbm, ei_hbm, out_hbm, idx_v, rows_v,
                 acc_sh, isem, gsem, ssem):
    c = lax.axis_index("c")
    s = lax.axis_index("s")
    wid = s * _NC + c

    ntrip = 78 + jnp.where(wid < _NCHUNK - 78 * _NW, 1, 0)

    def eoff(j):
        return (wid + j * _NW) * _CH

    def load_idx(j, b):
        pltpu.async_copy(ei_hbm.at[pl.ds(0, 2), pl.ds(eoff(j), _CH)],
                         idx_v.at[b], isem)

    def wait_idx(b):
        pltpu.make_async_copy(ei_hbm.at[pl.ds(0, 2), pl.ds(0, _CH)],
                              idx_v.at[b], isem).wait()

    def gather(bi, br):
        pltpu.async_copy(feat_hbm.at[idx_v.at[bi, 0]], rows_v.at[br], gsem)

    def wait_gather(br):
        pltpu.make_async_copy(feat_hbm.at[idx_v.at[0, 0]], rows_v.at[br],
                              gsem).wait()

    for b in range(_NBI - 1):
        load_idx(b, b)

    zrows = rows_v.at[0]

    def zrow(i, _):
        for k in range(_D // 16):
            zrows[i, pl.ds(k * 16, 16)] = jnp.zeros((16,), jnp.float32)
        return 0

    lax.fori_loop(0, _CH, zrow, 0)
    rbase = s * _RPT
    for k in range(4):
        pltpu.sync_copy(zrows, acc_sh.at[pl.ds(rbase + k * _CH, _CH)])

    @pl.when(s < _NS - 1)
    def _():
        pltpu.sync_copy(zrows.at[pl.ds(0, 112)],
                        acc_sh.at[pl.ds(rbase + 4 * _CH, 112)])

    @pl.when(s == _NS - 1)
    def _():
        pltpu.sync_copy(zrows, acc_sh.at[pl.ds(rbase + 4 * _CH, _CH)])

    wait_idx(0)
    gather(0, 0)
    plsc.subcore_barrier()

    def chunk(j, _):
        rp = j % _NBR
        rn = (j + 1) % _NBR
        ip = j % _NBI
        inx = (j + 1) % _NBI
        ifr = (j + _NBI - 1) % _NBI

        @pl.when(j >= 1)
        def _():
            pltpu.make_async_copy(rows_v.at[rn],
                                  acc_sh.at[idx_v.at[ifr, 1]], ssem).wait()

        @pl.when(j + _NBI - 1 < ntrip)
        def _():
            load_idx(j + _NBI - 1, ifr)

        @pl.when(j + 1 < ntrip)
        def _():
            wait_idx(inx)
            gather(inx, rn)

        wait_gather(rp)
        pltpu.async_copy(rows_v.at[rp], acc_sh.at[idx_v.at[ip, 1]], ssem,
                         add=True)
        return 0

    lax.fori_loop(0, ntrip, chunk, 0)
    pltpu.make_async_copy(rows_v.at[(ntrip - 1) % _NBR],
                          acc_sh.at[idx_v.at[(ntrip - 1) % _NBI, 1]],
                          ssem).wait()
    plsc.subcore_barrier()

    @pl.when(s < _NS - 1)
    def _():
        pltpu.sync_copy(acc_sh.at[pl.ds(rbase, _RPT)],
                        out_hbm.at[c, pl.ds(rbase, _RPT)])

    @pl.when(s == _NS - 1)
    def _():
        pltpu.sync_copy(acc_sh.at[pl.ds(rbase, _RPT + 16)],
                        out_hbm.at[c, pl.ds(rbase, _RPT + 16)])


@jax.jit
def _sc_agg(feat, edge_index):
    mesh = plsc.VectorSubcoreMesh(core_axis_name="c", subcore_axis_name="s")
    return pl.kernel(
        _sc_agg_body,
        out_type=jax.ShapeDtypeStruct((_NC, _N, _D), jnp.float32),
        mesh=mesh,
        scratch_types=[
            pltpu.VMEM((_NBI, 2, _CH), jnp.int32),
            pltpu.VMEM((_NBR, _CH, _D), jnp.float32),
            pltpu.VMEM_SHARED((_N, _D), jnp.float32),
            pltpu.SemaphoreType.DMA,
            pltpu.SemaphoreType.DMA,
            pltpu.SemaphoreType.DMA,
        ],
    )(feat, edge_index)


_BR = 2000


def _mlp_body(relu_out, x_ref, p_ref, wa_ref, ba_ref, wb_ref, bb_ref, o_ref):
    h = x_ref[...] + p_ref[0] + p_ref[1]
    t = jnp.maximum(
        jnp.dot(h, wa_ref[...], preferred_element_type=jnp.float32)
        + ba_ref[...], 0.0)
    o = jnp.dot(t, wb_ref[...], preferred_element_type=jnp.float32) + bb_ref[...]
    if relu_out:
        o = jnp.maximum(o, 0.0)
    o_ref[...] = o


@functools.partial(jax.jit, static_argnums=(6,))
def _mlp(x, p, wa, ba, wb, bb, relu_out):
    n, d = x.shape
    hdim = wb.shape[1]
    return pl.pallas_call(
        functools.partial(_mlp_body, relu_out),
        grid=(n // _BR,),
        in_specs=[
            pl.BlockSpec((_BR, d), lambda i: (i, 0)),
            pl.BlockSpec((_NC, _BR, d), lambda i: (0, i, 0)),
            pl.BlockSpec(wa.shape, lambda i: (0, 0)),
            pl.BlockSpec(ba.shape, lambda i: (0,)),
            pl.BlockSpec(wb.shape, lambda i: (0, 0)),
            pl.BlockSpec(bb.shape, lambda i: (0,)),
        ],
        out_specs=pl.BlockSpec((_BR, hdim), lambda i: (i, 0)),
        out_shape=jax.ShapeDtypeStruct((n, hdim), jnp.float32),
    )(x, p, wa, ba, wb, bb)


def kernel(x, edge_index, W1, b1, W2, b2, W3, b3, W4, b4):
    p1 = _sc_agg(x, edge_index)
    h = _mlp(x, p1, W1, b1, W2, b2, True)
    p2 = _sc_agg(h, edge_index)
    out = _mlp(h, p2, W3, b3, W4, b4, False)
    return out

# --- scband reference (transcript-rebuilt; emitter-appended) ---
"""Pipeline reference for scband-gin-54065048323041 (READ-ONLY COPY).

The authoritative reference and input builder live on the scoring server;
editing this copy changes nothing except your own understanding.
"""

import jax, jax.numpy as jnp
import numpy as np

N = 10000
E = 320000
D = 128
H = 128
O = 128


def setup_inputs(seed: int = 0) -> dict:
    key = jax.random.key(seed)
    ks = jax.random.split(key, 12)
    x = jax.random.normal(ks[0], (N, D), dtype=jnp.float32)
    edge_index = jax.random.randint(ks[1], (2, E), 0, N, dtype=jnp.int32)
    # nn1: Linear(D->H), ReLU, Linear(H->H)
    W1 = jax.random.normal(ks[2], (D, H), dtype=jnp.float32) * 0.05
    b1 = jnp.zeros((H,), dtype=jnp.float32)
    W2 = jax.random.normal(ks[3], (H, H), dtype=jnp.float32) * 0.05
    b2 = jnp.zeros((H,), dtype=jnp.float32)
    # nn2: Linear(H->H), ReLU, Linear(H->O)
    W3 = jax.random.normal(ks[4], (H, H), dtype=jnp.float32) * 0.05
    b3 = jnp.zeros((H,), dtype=jnp.float32)
    W4 = jax.random.normal(ks[5], (H, O), dtype=jnp.float32) * 0.05
    b4 = jnp.zeros((O,), dtype=jnp.float32)
    return {"x": x, "edge_index": edge_index, "W1": W1, "b1": b1, "W2": W2, "b2": b2, "W3": W3, "b3": b3, "W4": W4, "b4": b4}


def reference(x, edge_index, W1, b1, W2, b2, W3, b3, W4, b4):
    src = edge_index[0]
    dst = edge_index[1]
    eps = 0.0  # GINConv default eps=0, train_eps=False
    # conv1: sum-aggregate neighbor features, then MLP nn1
    agg1 = jax.ops.segment_sum(x[src], dst, num_segments=N)
    h = (1.0 + eps) * x + agg1
    h = jnp.maximum(h @ W1 + b1, 0.0) @ W2 + b2
    h = jnp.maximum(h, 0.0)  # outer ReLU in GIN.forward
    # dropout is identity in eval mode
    # conv2
    agg2 = jax.ops.segment_sum(h[src], dst, num_segments=N)
    h2 = (1.0 + eps) * h + agg2
    out = jnp.maximum(h2 @ W3 + b3, 0.0) @ W4 + b4
    return out

if __name__ == "__main__":
    import jax
    _d = setup_inputs()
    print(jax.jit(kernel)(*tuple(_d.values())))

</pallas_src>

<mosaic_0001>
#map = affine_map<(d0, d1) -> (0, 0)>
#map1 = affine_map<(d0, d1) -> (0, 0, 0)>
module attributes {stable_mosaic.version = 14 : i64} {
  func.func @_sc_agg_body(%arg0: i32, %arg1: i32, %arg2: memref<10000x128xf32, #tpu.memory_space<hbm>>, %arg3: memref<2x320000xi32, #tpu.memory_space<hbm>>, %arg4: memref<2x10000x128xf32, #tpu.memory_space<hbm>>, %arg5: memref<4x2x128xi32, #tpu.memory_space<vmem>>, %arg6: memref<2x128x128xf32, #tpu.memory_space<vmem>>, %arg7: memref<10000x128xf32, #tpu.memory_space<vmem_shared>>, %arg8: memref<!tpu.dma_semaphore, #tpu.memory_space<semaphore_mem>>, %arg9: memref<!tpu.dma_semaphore, #tpu.memory_space<semaphore_mem>>, %arg10: memref<!tpu.dma_semaphore, #tpu.memory_space<semaphore_mem>>) attributes {dimension_semantics = [#tpu.dimension_semantics<core_parallel>, #tpu.dimension_semantics<subcore_parallel>], iteration_bounds = array<i64: 2, 16>, scalar_prefetch = 0 : i64, scratch_operands = 6 : i64, tpu.core_type = #tpu.core_type<sc_vector_subcore>, window_params = [{transform_indices = #map}, {transform_indices = #map}, {transform_indices = #map1}]} {
    %mul3A = arith.constant 2 : i32
    %mul3A_0 = arith.muli %arg1, %mul3A : i32
    %add3A = arith.addi %mul3A_0, %arg0 : i32
    %lt3A = arith.constant 4 : i32
    %lt3A_1 = arith.cmpi slt, %add3A, %lt3A : i32
    %jit3A = arith.constant 1 : i32
    %jit3A_2 = arith.constant 0 : i32
    %select_n3A = arith.select %lt3A_1, %jit3A, %jit3A_2 : i32
    %add3A_3 = arith.constant 78 : i32
    %add3A_4 = arith.addi %add3A_3, %select_n3A : i32
    %add3A_5 = arith.constant 0 : i32
    %add3A_6 = arith.addi %add3A, %add3A_5 : i32
    %mul3A_7 = arith.constant 128 : i32
    %mul3A_8 = arith.muli %add3A_6, %mul3A_7 : i32
    %dma_start3A = arith.constant 0 : i32
    %dma_start3A_9 = arith.constant 0 : i32
    %dma_start3A_10 = arith.constant 0 : i32
    %dma_start3A_11 = tpu.memref_slice %arg5[%dma_start3A, %dma_start3A_9, %dma_start3A_10] : memref<4x2x128xi32, #tpu.memory_space<vmem>> -> memref<1x2x128xi32, #tpu.memory_space<vmem>>
    %dma_start3A_12 = tpu.memref_squeeze %dma_start3A_11 : memref<1x2x128xi32, #tpu.memory_space<vmem>> -> memref<2x128xi32, #tpu.memory_space<vmem>>
    %dma_start3A_13 = arith.constant 0 : i32
    %dma_start3A_14 = tpu.memref_slice %arg3[%dma_start3A_13, %mul3A_8] : memref<2x320000xi32, #tpu.memory_space<hbm>> -> memref<2x128xi32, #tpu.memory_space<hbm>>
    %dma_start3A_15 = arith.constant 0 : i32
    %dma_start3A_16 = arith.constant 0 : i32
    %dma_start3A_17 = tpu.memref_slice %arg5[%dma_start3A, %dma_start3A_15, %dma_start3A_16] : memref<4x2x128xi32, #tpu.memory_space<vmem>> -> memref<1x2x128xi32, #tpu.memory_space<vmem>>
    %dma_start3A_18 = tpu.memref_squeeze %dma_start3A_17 : memref<1x2x128xi32, #tpu.memory_space<vmem>> -> memref<2x128xi32, #tpu.memory_space<vmem>>
    %dma_start3A_19 = arith.constant 0 : i32
    %dma_start3A_20 = tpu.memref_slice %arg3[%dma_start3A_19, %mul3A_8] : memref<2x320000xi32, #tpu.memory_space<hbm>> -> memref<2x128xi32, #tpu.memory_space<hbm>>
    tpu.enqueue_dma source(%dma_start3A_20 : memref<2x128xi32, #tpu.memory_space<hbm>>) target(%dma_start3A_18 : memref<2x128xi32, #tpu.memory_space<vmem>>) target_semaphore(%arg8 : memref<!tpu.dma_semaphore, #tpu.memory_space<semaphore_mem>>)
    %add3A_21 = arith.constant 32 : i32
    %add3A_22 = arith.addi %add3A, %add3A_21 : i32
    %mul3A_23 = arith.constant 128 : i32
    %mul3A_24 = arith.muli %add3A_22, %mul3A_23 : i32
    %dma_start3A_25 = arith.constant 1 : i32
    %dma_start3A_26 = arith.constant 0 : i32
    %dma_start3A_27 = arith.constant 0 : i32
    %dma_start3A_28 = tpu.memref_slice %arg5[%dma_start3A_25, %dma_start3A_26, %dma_start3A_27] : memref<4x2x128xi32, #tpu.memory_space<vmem>> -> memref<1x2x128xi32, #tpu.memory_space<vmem>>
    %dma_start3A_29 = tpu.memref_squeeze %dma_start3A_28 : memref<1x2x128xi32, #tpu.memory_space<vmem>> -> memref<2x128xi32, #tpu.memory_space<vmem>>
    %dma_start3A_30 = arith.constant 0 : i32
    %dma_start3A_31 = tpu.memref_slice %arg3[%dma_start3A_30, %mul3A_24] : memref<2x320000xi32, #tpu.memory_space<hbm>> -> memref<2x128xi32, #tpu.memory_space<hbm>>
    %dma_start3A_32 = arith.constant 0 : i32
    %dma_start3A_33 = arith.constant 0 : i32
    %dma_start3A_34 = tpu.memref_slice %arg5[%dma_start3A_25, %dma_start3A_32, %dma_start3A_33] : memref<4x2x128xi32, #tpu.memory_space<vmem>> -> memref<1x2x128xi32, #tpu.memory_space<vmem>>
    %dma_start3A_35 = tpu.memref_squeeze %dma_start3A_34 : memref<1x2x128xi32, #tpu.memory_space<vmem>> -> memref<2x128xi32, #tpu.memory_space<vmem>>
    %dma_start3A_36 = arith.constant 0 : i32
    %dma_start3A_37 = tpu.memref_slice %arg3[%dma_start3A_36, %mul3A_24] : memref<2x320000xi32, #tpu.memory_space<hbm>> -> memref<2x128xi32, #tpu.memory_space<hbm>>
    tpu.enqueue_dma source(%dma_start3A_37 : memref<2x128xi32, #tpu.memory_space<hbm>>) target(%dma_start3A_35 : memref<2x128xi32, #tpu.memory_space<vmem>>) target_semaphore(%arg8 : memref<!tpu.dma_semaphore, #tpu.memory_space<semaphore_mem>>)
    %add3A_38 = arith.constant 64 : i32
    %add3A_39 = arith.addi %add3A, %add3A_38 : i32
    %mul3A_40 = arith.constant 128 : i32
    %mul3A_41 = arith.muli %add3A_39, %mul3A_40 : i32
    %dma_start3A_42 = arith.constant 2 : i32
    %dma_start3A_43 = arith.constant 0 : i32
    %dma_start3A_44 = arith.constant 0 : i32
    %dma_start3A_45 = tpu.memref_slice %arg5[%dma_start3A_42, %dma_start3A_43, %dma_start3A_44] : memref<4x2x128xi32, #tpu.memory_space<vmem>> -> memref<1x2x128xi32, #tpu.memory_space<vmem>>
    %dma_start3A_46 = tpu.memref_squeeze %dma_start3A_45 : memref<1x2x128xi32, #tpu.memory_space<vmem>> -> memref<2x128xi32, #tpu.memory_space<vmem>>
    %dma_start3A_47 = arith.constant 0 : i32
    %dma_start3A_48 = tpu.memref_slice %arg3[%dma_start3A_47, %mul3A_41] : memref<2x320000xi32, #tpu.memory_space<hbm>> -> memref<2x128xi32, #tpu.memory_space<hbm>>
    %dma_start3A_49 = arith.constant 0 : i32
    %dma_start3A_50 = arith.constant 0 : i32
    %dma_start3A_51 = tpu.memref_slice %arg5[%dma_start3A_42, %dma_start3A_49, %dma_start3A_50] : memref<4x2x128xi32, #tpu.memory_space<vmem>> -> memref<1x2x128xi32, #tpu.memory_space<vmem>>
    %dma_start3A_52 = tpu.memref_squeeze %dma_start3A_51 : memref<1x2x128xi32, #tpu.memory_space<vmem>> -> memref<2x128xi32, #tpu.memory_space<vmem>>
    %dma_start3A_53 = arith.constant 0 : i32
    %dma_start3A_54 = tpu.memref_slice %arg3[%dma_start3A_53, %mul3A_41] : memref<2x320000xi32, #tpu.memory_space<hbm>> -> memref<2x128xi32, #tpu.memory_space<hbm>>
    tpu.enqueue_dma source(%dma_start3A_54 : memref<2x128xi32, #tpu.memory_space<hbm>>) target(%dma_start3A_52 : memref<2x128xi32, #tpu.memory_space<vmem>>) target_semaphore(%arg8 : memref<!tpu.dma_semaphore, #tpu.memory_space<semaphore_mem>>)
    %scan3A = arith.constant 0 : i32
    %scan3A_55 = arith.constant 0 : i32
    %scan3A_56 = arith.constant 0 : i32
    %scan3A_57 = arith.constant 128 : i32
    %scan3A_58 = arith.addi %scan3A_56, %scan3A_57 : i32
    %scan3A_59 = arith.constant 1 : i32
    %scan3A_60 = scf.for %scan3A_176 = %scan3A_56 to %scan3A_58 step %scan3A_59 iter_args(%scan3A_177 = %scan3A_55) -> (i32)  : i32 {
      %broadcast_in_dim3A = arith.constant 0.000000e+00 : f32
      %broadcast_in_dim3A_178 = vector.broadcast %broadcast_in_dim3A : f32 to vector<16xf32>
      %swap3A = arith.constant 0 : i32
      %swap3A_179 = arith.constant 0 : i32
      %swap3A_180 = tpu.memref_slice %arg6[%scan3A, %swap3A, %swap3A_179] : memref<2x128x128xf32, #tpu.memory_space<vmem>> -> memref<1x128x128xf32, #tpu.memory_space<vmem>>
      %swap3A_181 = tpu.memref_squeeze %swap3A_180 : memref<1x128x128xf32, #tpu.memory_space<vmem>> -> memref<128x128xf32, #tpu.memory_space<vmem>>
      %swap3A_182 = arith.index_cast %scan3A_176 : i32 to index
      %swap3A_183 = arith.constant 0 : index
      %swap3A_184 = tpu.vector_load %swap3A_181[%swap3A_182, %swap3A_183] {strides = array<i32>} : memref<128x128xf32, #tpu.memory_space<vmem>>, vector<1x16xf32>,
      %swap3A_185 = vector.shape_cast %swap3A_184 : vector<1x16xf32> to vector<16xf32>
      %swap3A_186 = vector.shape_cast %broadcast_in_dim3A_178 : vector<16xf32> to vector<1x16xf32>
      tpu.vector_store %swap3A_181[%swap3A_182, %swap3A_183], %swap3A_186 {strides = array<i32>} : memref<128x128xf32, #tpu.memory_space<vmem>>, vector<1x16xf32>,
      %broadcast_in_dim3A_187 = arith.constant 0.000000e+00 : f32
      %broadcast_in_dim3A_188 = vector.broadcast %broadcast_in_dim3A_187 : f32 to vector<16xf32>
      %swap3A_189 = arith.constant 0 : i32
      %swap3A_190 = arith.constant 0 : i32
      %swap3A_191 = tpu.memref_slice %arg6[%scan3A, %swap3A_189, %swap3A_190] : memref<2x128x128xf32, #tpu.memory_space<vmem>> -> memref<1x128x128xf32, #tpu.memory_space<vmem>>
      %swap3A_192 = tpu.memref_squeeze %swap3A_191 : memref<1x128x128xf32, #tpu.memory_space<vmem>> -> memref<128x128xf32, #tpu.memory_space<vmem>>
      %swap3A_193 = arith.index_cast %scan3A_176 : i32 to index
      %swap3A_194 = arith.constant 16 : index
      %swap3A_195 = tpu.vector_load %swap3A_192[%swap3A_193, %swap3A_194] {strides = array<i32>} : memref<128x128xf32, #tpu.memory_space<vmem>>, vector<1x16xf32>,
      %swap3A_196 = vector.shape_cast %swap3A_195 : vector<1x16xf32> to vector<16xf32>
      %swap3A_197 = vector.shape_cast %broadcast_in_dim3A_188 : vector<16xf32> to vector<1x16xf32>
      tpu.vector_store %swap3A_192[%swap3A_193, %swap3A_194], %swap3A_197 {strides = array<i32>} : memref<128x128xf32, #tpu.memory_space<vmem>>, vector<1x16xf32>,
      %broadcast_in_dim3A_198 = arith.constant 0.000000e+00 : f32
      %broadcast_in_dim3A_199 = vector.broadcast %broadcast_in_dim3A_198 : f32 to vector<16xf32>
      %swap3A_200 = arith.constant 0 : i32
      %swap3A_201 = arith.constant 0 : i32
      %swap3A_202 = tpu.memref_slice %arg6[%scan3A, %swap3A_200, %swap3A_201] : memref<2x128x128xf32, #tpu.memory_space<vmem>> -> memref<1x128x128xf32, #tpu.memory_space<vmem>>
      %swap3A_203 = tpu.memref_squeeze %swap3A_202 : memref<1x128x128xf32, #tpu.memory_space<vmem>> -> memref<128x128xf32, #tpu.memory_space<vmem>>
      %swap3A_204 = arith.index_cast %scan3A_176 : i32 to index
      %swap3A_205 = arith.constant 32 : index
      %swap3A_206 = tpu.vector_load %swap3A_203[%swap3A_204, %swap3A_205] {strides = array<i32>} : memref<128x128xf32, #tpu.memory_space<vmem>>, vector<1x16xf32>,
      %swap3A_207 = vector.shape_cast %swap3A_206 : vector<1x16xf32> to vector<16xf32>
      %swap3A_208 = vector.shape_cast %broadcast_in_dim3A_199 : vector<16xf32> to vector<1x16xf32>
      tpu.vector_store %swap3A_203[%swap3A_204, %swap3A_205], %swap3A_208 {strides = array<i32>} : memref<128x128xf32, #tpu.memory_space<vmem>>, vector<1x16xf32>,
      %broadcast_in_dim3A_209 = arith.constant 0.000000e+00 : f32
      %broadcast_in_dim3A_210 = vector.broadcast %broadcast_in_dim3A_209 : f32 to vector<16xf32>
      %swap3A_211 = arith.constant 0 : i32
      %swap3A_212 = arith.constant 0 : i32
      %swap3A_213 = tpu.memref_slice %arg6[%scan3A, %swap3A_211, %swap3A_212] : memref<2x128x128xf32, #tpu.memory_space<vmem>> -> memref<1x128x128xf32, #tpu.memory_space<vmem>>
      %swap3A_214 = tpu.memref_squeeze %swap3A_213 : memref<1x128x128xf32, #tpu.memory_space<vmem>> -> memref<128x128xf32, #tpu.memory_space<vmem>>
      %swap3A_215 = arith.index_cast %scan3A_176 : i32 to index
      %swap3A_216 = arith.constant 48 : index
      %swap3A_217 = tpu.vector_load %swap3A_214[%swap3A_215, %swap3A_216] {strides = array<i32>} : memref<128x128xf32, #tpu.memory_space<vmem>>, vector<1x16xf32>,
      %swap3A_218 = vector.shape_cast %swap3A_217 : vector<1x16xf32> to vector<16xf32>
      %swap3A_219 = vector.shape_cast %broadcast_in_dim3A_210 : vector<16xf32> to vector<1x16xf32>
      tpu.vector_store %swap3A_214[%swap3A_215, %swap3A_216], %swap3A_219 {strides = array<i32>} : memref<128x128xf32, #tpu.memory_space<vmem>>, vector<1x16xf32>,
      %broadcast_in_dim3A_220 = arith.constant 0.000000e+00 : f32
      %broadcast_in_dim3A_221 = vector.broadcast %broadcast_in_dim3A_220 : f32 to vector<16xf32>
      %swap3A_222 = arith.constant 0 : i32
      %swap3A_223 = arith.constant 0 : i32
      %swap3A_224 = tpu.memref_slice %arg6[%scan3A, %swap3A_222, %swap3A_223] : memref<2x128x128xf32, #tpu.memory_space<vmem>> -> memref<1x128x128xf32, #tpu.memory_space<vmem>>
      %swap3A_225 = tpu.memref_squeeze %swap3A_224 : memref<1x128x128xf32, #tpu.memory_space<vmem>> -> memref<128x128xf32, #tpu.memory_space<vmem>>
      %swap3A_226 = arith.index_cast %scan3A_176 : i32 to index
      %swap3A_227 = arith.constant 64 : index
      %swap3A_228 = tpu.vector_load %swap3A_225[%swap3A_226, %swap3A_227] {strides = array<i32>} : memref<128x128xf32, #tpu.memory_space<vmem>>, vector<1x16xf32>,
      %swap3A_229 = vector.shape_cast %swap3A_228 : vector<1x16xf32> to vector<16xf32>
      %swap3A_230 = vector.shape_cast %broadcast_in_dim3A_221 : vector<16xf32> to vector<1x16xf32>
      tpu.vector_store %swap3A_225[%swap3A_226, %swap3A_227], %swap3A_230 {strides = array<i32>} : memref<128x128xf32, #tpu.memory_space<vmem>>, vector<1x16xf32>,
      %broadcast_in_dim3A_231 = arith.constant 0.000000e+00 : f32
      %broadcast_in_dim3A_232 = vector.broadcast %broadcast_in_dim3A_231 : f32 to vector<16xf32>
      %swap3A_233 = arith.constant 0 : i32
      %swap3A_234 = arith.constant 0 : i32
      %swap3A_235 = tpu.memref_slice %arg6[%scan3A, %swap3A_233, %swap3A_234] : memref<2x128x128xf32, #tpu.memory_space<vmem>> -> memref<1x128x128xf32, #tpu.memory_space<vmem>>
      %swap3A_236 = tpu.memref_squeeze %swap3A_235 : memref<1x128x128xf32, #tpu.memory_space<vmem>> -> memref<128x128xf32, #tpu.memory_space<vmem>>
      %swap3A_237 = arith.index_cast %scan3A_176 : i32 to index
      %swap3A_238 = arith.constant 80 : index
      %swap3A_239 = tpu.vector_load %swap3A_236[%swap3A_237, %swap3A_238] {strides = array<i32>} : memref<128x128xf32, #tpu.memory_space<vmem>>, vector<1x16xf32>,
      %swap3A_240 = vector.shape_cast %swap3A_239 : vector<1x16xf32> to vector<16xf32>
      %swap3A_241 = vector.shape_cast %broadcast_in_dim3A_232 : vector<16xf32> to vector<1x16xf32>
      tpu.vector_store %swap3A_236[%swap3A_237, %swap3A_238], %swap3A_241 {strides = array<i32>} : memref<128x128xf32, #tpu.memory_space<vmem>>, vector<1x16xf32>,
      %broadcast_in_dim3A_242 = arith.constant 0.000000e+00 : f32
      %broadcast_in_dim3A_243 = vector.broadcast %broadcast_in_dim3A_242 : f32 to vector<16xf32>
      %swap3A_244 = arith.constant 0 : i32
      %swap3A_245 = arith.constant 0 : i32
      %swap3A_246 = tpu.memref_slice %arg6[%scan3A, %swap3A_244, %swap3A_245] : memref<2x128x128xf32, #tpu.memory_space<vmem>> -> memref<1x128x128xf32, #tpu.memory_space<vmem>>
      %swap3A_247 = tpu.memref_squeeze %swap3A_246 : memref<1x128x128xf32, #tpu.memory_space<vmem>> -> memref<128x128xf32, #tpu.memory_space<vmem>>
      %swap3A_248 = arith.index_cast %scan3A_176 : i32 to index
      %swap3A_249 = arith.constant 96 : index
      %swap3A_250 = tpu.vector_load %swap3A_247[%swap3A_248, %swap3A_249] {strides = array<i32>} : memref<128x128xf32, #tpu.memory_space<vmem>>, vector<1x16xf32>,
      %swap3A_251 = vector.shape_cast %swap3A_250 : vector<1x16xf32> to vector<16xf32>
      %swap3A_252 = vector.shape_cast %broadcast_in_dim3A_243 : vector<16xf32> to vector<1x16xf32>
      tpu.vector_store %swap3A_247[%swap3A_248, %swap3A_249], %swap3A_252 {strides = array<i32>} : memref<128x128xf32, #tpu.memory_space<vmem>>, vector<1x16xf32>,
      %broadcast_in_dim3A_253 = arith.constant 0.000000e+00 : f32
      %broadcast_in_dim3A_254 = vector.broadcast %broadcast_in_dim3A_253 : f32 to vector<16xf32>
      %swap3A_255 = arith.constant 0 : i32
      %swap3A_256 = arith.constant 0 : i32
      %swap3A_257 = tpu.memref_slice %arg6[%scan3A, %swap3A_255, %swap3A_256] : memref<2x128x128xf32, #tpu.memory_space<vmem>> -> memref<1x128x128xf32, #tpu.memory_space<vmem>>
      %swap3A_258 = tpu.memref_squeeze %swap3A_257 : memref<1x128x128xf32, #tpu.memory_space<vmem>> -> memref<128x128xf32, #tpu.memory_space<vmem>>
      %swap3A_259 = arith.index_cast %scan3A_176 : i32 to index
      %swap3A_260 = arith.constant 112 : index
      %swap3A_261 = tpu.vector_load %swap3A_258[%swap3A_259, %swap3A_260] {strides = array<i32>} : memref<128x128xf32, #tpu.memory_space<vmem>>, vector<1x16xf32>,
      %swap3A_262 = vector.shape_cast %swap3A_261 : vector<1x16xf32> to vector<16xf32>
      %swap3A_263 = vector.shape_cast %broadcast_in_dim3A_254 : vector<16xf32> to vector<1x16xf32>
      tpu.vector_store %swap3A_258[%swap3A_259, %swap3A_260], %swap3A_263 {strides = array<i32>} : memref<128x128xf32, #tpu.memory_space<vmem>>, vector<1x16xf32>,
      %scan3A_264 = arith.constant 0 : i32
      scf.yield %scan3A_264 : i32
    }
    %scan3A_61 = arith.constant 128 : i32
    %mul3A_62 = arith.constant 624 : i32
    %mul3A_63 = arith.muli %arg1, %mul3A_62 : i32
    %add3A_64 = arith.constant 0 : i32
    %add3A_65 = arith.addi %mul3A_63, %add3A_64 : i32
    %run_scoped3A = arith.constant 0 : i32
    "tpu.region"() ({
      %run_scoped3A_176 = tpu.sem_alloc : memref<!tpu.dma_semaphore, #tpu.memory_space<semaphore_mem>>
      %dma_start3A_177 = arith.constant 0 : i32
      %dma_start3A_178 = arith.constant 0 : i32
      %dma_start3A_179 = tpu.memref_slice %arg6[%run_scoped3A, %dma_start3A_177, %dma_start3A_178] : memref<2x128x128xf32, #tpu.memory_space<vmem>> -> memref<1x128x128xf32, #tpu.memory_space<vmem>>
      %dma_start3A_180 = tpu.memref_squeeze %dma_start3A_179 : memref<1x128x128xf32, #tpu.memory_space<vmem>> -> memref<128x128xf32, #tpu.memory_space<vmem>>
      %dma_start3A_181 = arith.constant 0 : i32
      %dma_start3A_182 = tpu.memref_slice %arg7[%add3A_65, %dma_start3A_181] : memref<10000x128xf32, #tpu.memory_space<vmem_shared>> -> memref<128x128xf32, #tpu.memory_space<vmem_shared>>
      %dma_start3A_183 = arith.constant 0 : i32
      %dma_start3A_184 = tpu.memref_slice %arg7[%add3A_65, %dma_start3A_183] : memref<10000x128xf32, #tpu.memory_space<vmem_shared>> -> memref<128x128xf32, #tpu.memory_space<vmem_shared>>
      %dma_start3A_185 = arith.constant 0 : i32
      %dma_start3A_186 = arith.constant 0 : i32
      %dma_start3A_187 = tpu.memref_slice %arg6[%run_scoped3A, %dma_start3A_185, %dma_start3A_186] : memref<2x128x128xf32, #tpu.memory_space<vmem>> -> memref<1x128x128xf32, #tpu.memory_space<vmem>>
      %dma_start3A_188 = tpu.memref_squeeze %dma_start3A_187 : memref<1x128x128xf32, #tpu.memory_space<vmem>> -> memref<128x128xf32, #tpu.memory_space<vmem>>
      tpu.enqueue_dma source(%dma_start3A_188 : memref<128x128xf32, #tpu.memory_space<vmem>>) target(%dma_start3A_184 : memref<128x128xf32, #tpu.memory_space<vmem_shared>>) target_semaphore(%run_scoped3A_176 : memref<!tpu.dma_semaphore, #tpu.memory_space<semaphore_mem>>)
      %dma_wait3A_189 = arith.constant 0 : i32
      %dma_wait3A_190 = arith.constant 0 : i32
      %dma_wait3A_191 = tpu.memref_slice %arg6[%run_scoped3A, %dma_wait3A_189, %dma_wait3A_190] : memref<2x128x128xf32, #tpu.memory_space<vmem>> -> memref<1x128x128xf32, #tpu.memory_space<vmem>>
      %dma_wait3A_192 = tpu.memref_squeeze %dma_wait3A_191 : memref<1x128x128xf32, #tpu.memory_space<vmem>> -> memref<128x128xf32, #tpu.memory_space<vmem>>
      %dma_wait3A_193 = arith.constant 0 : i32
      %dma_wait3A_194 = tpu.memref_slice %arg7[%add3A_65, %dma_wait3A_193] : memref<10000x128xf32, #tpu.memory_space<vmem_shared>> -> memref<128x128xf32, #tpu.memory_space<vmem_shared>>
      %dma_wait3A_195 = arith.constant 0 : i32
      %dma_wait3A_196 = tpu.memref_slice %arg7[%add3A_65, %dma_wait3A_195] : memref<10000x128xf32, #tpu.memory_space<vmem_shared>> -> memref<128x128xf32, #tpu.memory_space<vmem_shared>>
      %dma_wait3A_197 = arith.constant 0 : i32
      %dma_wait3A_198 = arith.constant 0 : i32
      %dma_wait3A_199 = tpu.memref_slice %arg6[%run_scoped3A, %dma_wait3A_197, %dma_wait3A_198] : memref<2x128x128xf32, #tpu.memory_space<vmem>> -> memref<1x128x128xf32, #tpu.memory_space<vmem>>
      %dma_wait3A_200 = tpu.memref_squeeze %dma_wait3A_199 : memref<1x128x128xf32, #tpu.memory_space<vmem>> -> memref<128x128xf32, #tpu.memory_space<vmem>>
      tpu.wait_dma2 semaphore(%run_scoped3A_176 : memref<!tpu.dma_semaphore, #tpu.memory_space<semaphore_mem>>) src(%dma_wait3A_200 : memref<128x128xf32, #tpu.memory_space<vmem>>) dst(%dma_wait3A_196 : memref<128x128xf32, #tpu.memory_space<vmem_shared>>)
      tpu.yield
    }) : () -> ()
    %add3A_66 = arith.constant 128 : i32
    %add3A_67 = arith.addi %mul3A_63, %add3A_66 : i32
    %run_scoped3A_68 = arith.constant 0 : i32
    "tpu.region"() ({
      %run_scoped3A_176 = tpu.sem_alloc : memref<!tpu.dma_semaphore, #tpu.memory_space<semaphore_mem>>
      %dma_start3A_177 = arith.constant 0 : i32
      %dma_start3A_178 = arith.constant 0 : i32
      %dma_start3A_179 = tpu.memref_slice %arg6[%run_scoped3A_68, %dma_start3A_177, %dma_start3A_178] : memref<2x128x128xf32, #tpu.memory_space<vmem>> -> memref<1x128x128xf32, #tpu.memory_space<vmem>>
      %dma_start3A_180 = tpu.memref_squeeze %dma_start3A_179 : memref<1x128x128xf32, #tpu.memory_space<vmem>> -> memref<128x128xf32, #tpu.memory_space<vmem>>
      %dma_start3A_181 = arith.constant 0 : i32
      %dma_start3A_182 = tpu.memref_slice %arg7[%add3A_67, %dma_start3A_181] : memref<10000x128xf32, #tpu.memory_space<vmem_shared>> -> memref<128x128xf32, #tpu.memory_space<vmem_shared>>
      %dma_start3A_183 = arith.constant 0 : i32
      %dma_start3A_184 = tpu.memref_slice %arg7[%add3A_67, %dma_start3A_183] : memref<10000x128xf32, #tpu.memory_space<vmem_shared>> -> memref<128x128xf32, #tpu.memory_space<vmem_shared>>
      %dma_start3A_185 = arith.constant 0 : i32
      %dma_start3A_186 = arith.constant 0 : i32
      %dma_start3A_187 = tpu.memref_slice %arg6[%run_scoped3A_68, %dma_start3A_185, %dma_start3A_186] : memref<2x128x128xf32, #tpu.memory_space<vmem>> -> memref<1x128x128xf32, #tpu.memory_space<vmem>>
      %dma_start3A_188 = tpu.memref_squeeze %dma_start3A_187 : memref<1x128x128xf32, #tpu.memory_space<vmem>> -> memref<128x128xf32, #tpu.memory_space<vmem>>
      tpu.enqueue_dma source(%dma_start3A_188 : memref<128x128xf32, #tpu.memory_space<vmem>>) target(%dma_start3A_184 : memref<128x128xf32, #tpu.memory_space<vmem_shared>>) target_semaphore(%run_scoped3A_176 : memref<!tpu.dma_semaphore, #tpu.memory_space<semaphore_mem>>)
      %dma_wait3A_189 = arith.constant 0 : i32
      %dma_wait3A_190 = arith.constant 0 : i32
      %dma_wait3A_191 = tpu.memref_slice %arg6[%run_scoped3A_68, %dma_wait3A_189, %dma_wait3A_190] : memref<2x128x128xf32, #tpu.memory_space<vmem>> -> memref<1x128x128xf32, #tpu.memory_space<vmem>>
      %dma_wait3A_192 = tpu.memref_squeeze %dma_wait3A_191 : memref<1x128x128xf32, #tpu.memory_space<vmem>> -> memref<128x128xf32, #tpu.memory_space<vmem>>
      %dma_wait3A_193 = arith.constant 0 : i32
      %dma_wait3A_194 = tpu.memref_slice %arg7[%add3A_67, %dma_wait3A_193] : memref<10000x128xf32, #tpu.memory_space<vmem_shared>> -> memref<128x128xf32, #tpu.memory_space<vmem_shared>>
      %dma_wait3A_195 = arith.constant 0 : i32
      %dma_wait3A_196 = tpu.memref_slice %arg7[%add3A_67, %dma_wait3A_195] : memref<10000x128xf32, #tpu.memory_space<vmem_shared>> -> memref<128x128xf32, #tpu.memory_space<vmem_shared>>
      %dma_wait3A_197 = arith.constant 0 : i32
      %dma_wait3A_198 = arith.constant 0 : i32
      %dma_wait3A_199 = tpu.memref_slice %arg6[%run_scoped3A_68, %dma_wait3A_197, %dma_wait3A_198] : memref<2x128x128xf32, #tpu.memory_space<vmem>> -> memref<1x128x128xf32, #tpu.memory_space<vmem>>
      %dma_wait3A_200 = tpu.memref_squeeze %dma_wait3A_199 : memref<1x128x128xf32, #tpu.memory_space<vmem>> -> memref<128x128xf32, #tpu.memory_space<vmem>>
      tpu.wait_dma2 semaphore(%run_scoped3A_176 : memref<!tpu.dma_semaphore, #tpu.memory_space<semaphore_mem>>) src(%dma_wait3A_200 : memref<128x128xf32, #tpu.memory_space<vmem>>) dst(%dma_wait3A_196 : memref<128x128xf32, #tpu.memory_space<vmem_shared>>)
      tpu.yield
    }) : () -> ()
    %add3A_69 = arith.constant 256 : i32
    %add3A_70 = arith.addi %mul3A_63, %add3A_69 : i32
    %run_scoped3A_71 = arith.constant 0 : i32
    "tpu.region"() ({
      %run_scoped3A_176 = tpu.sem_alloc : memref<!tpu.dma_semaphore, #tpu.memory_space<semaphore_mem>>
      %dma_start3A_177 = arith.constant 0 : i32
      %dma_start3A_178 = arith.constant 0 : i32
      %dma_start3A_179 = tpu.memref_slice %arg6[%run_scoped3A_71, %dma_start3A_177, %dma_start3A_178] : memref<2x128x128xf32, #tpu.memory_space<vmem>> -> memref<1x128x128xf32, #tpu.memory_space<vmem>>
      %dma_start3A_180 = tpu.memref_squeeze %dma_start3A_179 : memref<1x128x128xf32, #tpu.memory_space<vmem>> -> memref<128x128xf32, #tpu.memory_space<vmem>>
      %dma_start3A_181 = arith.constant 0 : i32
      %dma_start3A_182 = tpu.memref_slice %arg7[%add3A_70, %dma_start3A_181] : memref<10000x128xf32, #tpu.memory_space<vmem_shared>> -> memref<128x128xf32, #tpu.memory_space<vmem_shared>>
      %dma_start3A_183 = arith.constant 0 : i32
      %dma_start3A_184 = tpu.memref_slice %arg7[%add3A_70, %dma_start3A_183] : memref<10000x128xf32, #tpu.memory_space<vmem_shared>> -> memref<128x128xf32, #tpu.memory_space<vmem_shared>>
      %dma_start3A_185 = arith.constant 0 : i32
      %dma_start3A_186 = arith.constant 0 : i32
      %dma_start3A_187 = tpu.memref_slice %arg6[%run_scoped3A_71, %dma_start3A_185, %dma_start3A_186] : memref<2x128x128xf32, #tpu.memory_space<vmem>> -> memref<1x128x128xf32, #tpu.memory_space<vmem>>
      %dma_start3A_188 = tpu.memref_squeeze %dma_start3A_187 : memref<1x128x128xf32, #tpu.memory_space<vmem>> -> memref<128x128xf32, #tpu.memory_space<vmem>>
      tpu.enqueue_dma source(%dma_start3A_188 : memref<128x128xf32, #tpu.memory_space<vmem>>) target(%dma_start3A_184 : memref<128x128xf32, #tpu.memory_space<vmem_shared>>) target_semaphore(%run_scoped3A_176 : memref<!tpu.dma_semaphore, #tpu.memory_space<semaphore_mem>>)
      %dma_wait3A_189 = arith.constant 0 : i32
      %dma_wait3A_190 = arith.constant 0 : i32
      %dma_wait3A_191 = tpu.memref_slice %arg6[%run_scoped3A_71, %dma_wait3A_189, %dma_wait3A_190] : memref<2x128x128xf32, #tpu.memory_space<vmem>> -> memref<1x128x128xf32, #tpu.memory_space<vmem>>
      %dma_wait3A_192 = tpu.memref_squeeze %dma_wait3A_191 : memref<1x128x128xf32, #tpu.memory_space<vmem>> -> memref<128x128xf32, #tpu.memory_space<vmem>>
      %dma_wait3A_193 = arith.constant 0 : i32
      %dma_wait3A_194 = tpu.memref_slice %arg7[%add3A_70, %dma_wait3A_193] : memref<10000x128xf32, #tpu.memory_space<vmem_shared>> -> memref<128x128xf32, #tpu.memory_space<vmem_shared>>
      %dma_wait3A_195 = arith.constant 0 : i32
      %dma_wait3A_196 = tpu.memref_slice %arg7[%add3A_70, %dma_wait3A_195] : memref<10000x128xf32, #tpu.memory_space<vmem_shared>> -> memref<128x128xf32, #tpu.memory_space<vmem_shared>>
      %dma_wait3A_197 = arith.constant 0 : i32
      %dma_wait3A_198 = arith.constant 0 : i32
      %dma_wait3A_199 = tpu.memref_slice %arg6[%run_scoped3A_71, %dma_wait3A_197, %dma_wait3A_198] : memref<2x128x128xf32, #tpu.memory_space<vmem>> -> memref<1x128x128xf32, #tpu.memory_space<vmem>>
      %dma_wait3A_200 = tpu.memref_squeeze %dma_wait3A_199 : memref<1x128x128xf32, #tpu.memory_space<vmem>> -> memref<128x128xf32, #tpu.memory_space<vmem>>
      tpu.wait_dma2 semaphore(%run_scoped3A_176 : memref<!tpu.dma_semaphore, #tpu.memory_space<semaphore_mem>>) src(%dma_wait3A_200 : memref<128x128xf32, #tpu.memory_space<vmem>>) dst(%dma_wait3A_196 : memref<128x128xf32, #tpu.memory_space<vmem_shared>>)
      tpu.yield
    }) : () -> ()
    %add3A_72 = arith.constant 384 : i32
    %add3A_73 = arith.addi %mul3A_63, %add3A_72 : i32
    %run_scoped3A_74 = arith.constant 0 : i32
    "tpu.region"() ({
      %run_scoped3A_176 = tpu.sem_alloc : memref<!tpu.dma_semaphore, #tpu.memory_space<semaphore_mem>>
      %dma_start3A_177 = arith.constant 0 : i32
      %dma_start3A_178 = arith.constant 0 : i32
      %dma_start3A_179 = tpu.memref_slice %arg6[%run_scoped3A_74, %dma_start3A_177, %dma_start3A_178] : memref<2x128x128xf32, #tpu.memory_space<vmem>> -> memref<1x128x128xf32, #tpu.memory_space<vmem>>
      %dma_start3A_180 = tpu.memref_squeeze %dma_start3A_179 : memref<1x128x128xf32, #tpu.memory_space<vmem>> -> memref<128x128xf32, #tpu.memory_space<vmem>>
      %dma_start3A_181 = arith.constant 0 : i32
      %dma_start3A_182 = tpu.memref_slice %arg7[%add3A_73, %dma_start3A_181] : memref<10000x128xf32, #tpu.memory_space<vmem_shared>> -> memref<128x128xf32, #tpu.memory_space<vmem_shared>>
      %dma_start3A_183 = arith.constant 0 : i32
      %dma_start3A_184 = tpu.memref_slice %arg7[%add3A_73, %dma_start3A_183] : memref<10000x128xf32, #tpu.memory_space<vmem_shared>> -> memref<128x128xf32, #tpu.memory_space<vmem_shared>>
      %dma_start3A_185 = arith.constant 0 : i32
      %dma_start3A_186 = arith.constant 0 : i32
      %dma_start3A_187 = tpu.memref_slice %arg6[%run_scoped3A_74, %dma_start3A_185, %dma_start3A_186] : memref<2x128x128xf32, #tpu.memory_space<vmem>> -> memref<1x128x128xf32, #tpu.memory_space<vmem>>
      %dma_start3A_188 = tpu.memref_squeeze %dma_start3A_187 : memref<1x128x128xf32, #tpu.memory_space<vmem>> -> memref<128x128xf32, #tpu.memory_space<vmem>>
      tpu.enqueue_dma source(%dma_start3A_188 : memref<128x128xf32, #tpu.memory_space<vmem>>) target(%dma_start3A_184 : memref<128x128xf32, #tpu.memory_space<vmem_shared>>) target_semaphore(%run_scoped3A_176 : memref<!tpu.dma_semaphore, #tpu.memory_space<semaphore_mem>>)
      %dma_wait3A_189 = arith.constant 0 : i32
      %dma_wait3A_190 = arith.constant 0 : i32
      %dma_wait3A_191 = tpu.memref_slice %arg6[%run_scoped3A_74, %dma_wait3A_189, %dma_wait3A_190] : memref<2x128x128xf32, #tpu.memory_space<vmem>> -> memref<1x128x128xf32, #tpu.memory_space<vmem>>
      %dma_wait3A_192 = tpu.memref_squeeze %dma_wait3A_191 : memref<1x128x128xf32, #tpu.memory_space<vmem>> -> memref<128x128xf32, #tpu.memory_space<vmem>>
      %dma_wait3A_193 = arith.constant 0 : i32
      %dma_wait3A_194 = tpu.memref_slice %arg7[%add3A_73, %dma_wait3A_193] : memref<10000x128xf32, #tpu.memory_space<vmem_shared>> -> memref<128x128xf32, #tpu.memory_space<vmem_shared>>
      %dma_wait3A_195 = arith.constant 0 : i32
      %dma_wait3A_196 = tpu.memref_slice %arg7[%add3A_73, %dma_wait3A_195] : memref<10000x128xf32, #tpu.memory_space<vmem_shared>> -> memref<128x128xf32, #tpu.memory_space<vmem_shared>>
      %dma_wait3A_197 = arith.constant 0 : i32
      %dma_wait3A_198 = arith.constant 0 : i32
      %dma_wait3A_199 = tpu.memref_slice %arg6[%run_scoped3A_74, %dma_wait3A_197, %dma_wait3A_198] : memref<2x128x128xf32, #tpu.memory_space<vmem>> -> memref<1x128x128xf32, #tpu.memory_space<vmem>>
      %dma_wait3A_200 = tpu.memref_squeeze %dma_wait3A_199 : memref<1x128x128xf32, #tpu.memory_space<vmem>> -> memref<128x128xf32, #tpu.memory_space<vmem>>
      tpu.wait_dma2 semaphore(%run_scoped3A_176 : memref<!tpu.dma_semaphore, #tpu.memory_space<semaphore_mem>>) src(%dma_wait3A_200 : memref<128x128xf32, #tpu.memory_space<vmem>>) dst(%dma_wait3A_196 : memref<128x128xf32, #tpu.memory_space<vmem_shared>>)
      tpu.yield
    }) : () -> ()
    %lt3A_75 = arith.constant 15 : i32
    %lt3A_76 = arith.cmpi slt, %arg1, %lt3A_75 : i32
    %convert_element_type3A = arith.extui %lt3A_76 : i1 to i32
    %cond3A = arith.constant 0 : i32
    %cond3A_77 = arith.constant 0 : i32
    %cond3A_78 = arith.cmpi ne, %convert_element_type3A, %cond3A_77 : i32
    scf.if %cond3A_78 {
      %add3A_176 = arith.constant 512 : i32
      %add3A_177 = arith.addi %mul3A_63, %add3A_176 : i32
      "tpu.region"() ({
        %run_scoped3A_178 = tpu.sem_alloc : memref<!tpu.dma_semaphore, #tpu.memory_space<semaphore_mem>>
        %dma_start3A_179 = arith.constant 0 : i32
        %dma_start3A_180 = arith.constant 0 : i32
        %dma_start3A_181 = tpu.memref_slice %arg6[%cond3A, %dma_start3A_179, %dma_start3A_180] : memref<2x128x128xf32, #tpu.memory_space<vmem>> -> memref<1x128x128xf32, #tpu.memory_space<vmem>>
        %dma_start3A_182 = tpu.memref_squeeze %dma_start3A_181 : memref<1x128x128xf32, #tpu.memory_space<vmem>> -> memref<128x128xf32, #tpu.memory_space<vmem>>
        %dma_start3A_183 = arith.constant 0 : i32
        %dma_start3A_184 = arith.constant 0 : i32
        %dma_start3A_185 = tpu.memref_slice %dma_start3A_182[%dma_start3A_183, %dma_start3A_184] : memref<128x128xf32, #tpu.memory_space<vmem>> -> memref<112x128xf32, #tpu.memory_space<vmem>>
        %dma_start3A_186 = arith.constant 0 : i32
        %dma_start3A_187 = tpu.memref_slice %arg7[%add3A_177, %dma_start3A_186] : memref<10000x128xf32, #tpu.memory_space<vmem_shared>> -> memref<112x128xf32, #tpu.memory_space<vmem_shared>>
        %dma_start3A_188 = arith.constant 0 : i32
        %dma_start3A_189 = tpu.memref_slice %arg7[%add3A_177, %dma_start3A_188] : memref<10000x128xf32, #tpu.memory_space<vmem_shared>> -> memref<112x128xf32, #tpu.memory_space<vmem_shared>>
        %dma_start3A_190 = arith.constant 0 : i32
        %dma_start3A_191 = arith.constant 0 : i32
        %dma_start3A_192 = tpu.memref_slice %arg6[%cond3A, %dma_start3A_190, %dma_start3A_191] : memref<2x128x128xf32, #tpu.memory_space<vmem>> -> memref<1x128x128xf32, #tpu.memory_space<vmem>>
        %dma_start3A_193 = tpu.memref_squeeze %dma_start3A_192 : memref<1x128x128xf32, #tpu.memory_space<vmem>> -> memref<128x128xf32, #tpu.memory_space<vmem>>
        %dma_start3A_194 = arith.constant 0 : i32
        %dma_start3A_195 = arith.constant 0 : i32
        %dma_start3A_196 = tpu.memref_slice %dma_start3A_193[%dma_start3A_194, %dma_start3A_195] : memref<128x128xf32, #tpu.memory_space<vmem>> -> memref<112x128xf32, #tpu.memory_space<vmem>>
        tpu.enqueue_dma source(%dma_start3A_196 : memref<112x128xf32, #tpu.memory_space<vmem>>) target(%dma_start3A_189 : memref<112x128xf32, #tpu.memory_space<vmem_shared>>) target_semaphore(%run_scoped3A_178 : memref<!tpu.dma_semaphore, #tpu.memory_space<semaphore_mem>>)
        %dma_wait3A_197 = arith.constant 0 : i32
        %dma_wait3A_198 = arith.constant 0 : i32
        %dma_wait3A_199 = tpu.memref_slice %arg6[%cond3A, %dma_wait3A_197, %dma_wait3A_198] : memref<2x128x128xf32, #tpu.memory_space<vmem>> -> memref<1x128x128xf32, #tpu.memory_space<vmem>>
        %dma_wait3A_200 = tpu.memref_squeeze %dma_wait3A_199 : memref<1x128x128xf32, #tpu.memory_space<vmem>> -> memref<128x128xf32, #tpu.memory_space<vmem>>
        %dma_wait3A_201 = arith.constant 0 : i32
        %dma_wait3A_202 = arith.constant 0 : i32
        %dma_wait3A_203 = tpu.memref_slice %dma_wait3A_200[%dma_wait3A_201, %dma_wait3A_202] : memref<128x128xf32, #tpu.memory_space<vmem>> -> memref<112x128xf32, #tpu.memory_space<vmem>>
        %dma_wait3A_204 = arith.constant 0 : i32
        %dma_wait3A_205 = tpu.memref_slice %arg7[%add3A_177, %dma_wait3A_204] : memref<10000x128xf32, #tpu.memory_space<vmem_shared>> -> memref<112x128xf32, #tpu.memory_space<vmem_shared>>
        %dma_wait3A_206 = arith.constant 0 : i32
        %dma_wait3A_207 = tpu.memref_slice %arg7[%add3A_177, %dma_wait3A_206] : memref<10000x128xf32, #tpu.memory_space<vmem_shared>> -> memref<112x128xf32, #tpu.memory_space<vmem_shared>>
        %dma_wait3A_208 = arith.constant 0 : i32
        %dma_wait3A_209 = arith.constant 0 : i32
        %dma_wait3A_210 = tpu.memref_slice %arg6[%cond3A, %dma_wait3A_208, %dma_wait3A_209] : memref<2x128x128xf32, #tpu.memory_space<vmem>> -> memref<1x128x128xf32, #tpu.memory_space<vmem>>
        %dma_wait3A_211 = tpu.memref_squeeze %dma_wait3A_210 : memref<1x128x128xf32, #tpu.memory_space<vmem>> -> memref<128x128xf32, #tpu.memory_space<vmem>>
        %dma_wait3A_212 = arith.constant 0 : i32
        %dma_wait3A_213 = arith.constant 0 : i32
        %dma_wait3A_214 = tpu.memref_slice %dma_wait3A_211[%dma_wait3A_212, %dma_wait3A_213] : memref<128x128xf32, #tpu.memory_space<vmem>> -> memref<112x128xf32, #tpu.memory_space<vmem>>
        tpu.wait_dma2 semaphore(%run_scoped3A_178 : memref<!tpu.dma_semaphore, #tpu.memory_space<semaphore_mem>>) src(%dma_wait3A_214 : memref<112x128xf32, #tpu.memory_space<vmem>>) dst(%dma_wait3A_207 : memref<112x128xf32, #tpu.memory_space<vmem_shared>>)
        tpu.yield
      }) : () -> ()
    } else {
    }
    %eq3A = arith.constant 15 : i32
    %eq3A_79 = arith.cmpi eq, %arg1, %eq3A : i32
    %convert_element_type3A_80 = arith.extui %eq3A_79 : i1 to i32
    %cond3A_81 = arith.constant 0 : i32
    %cond3A_82 = arith.constant 0 : i32
    %cond3A_83 = arith.cmpi ne, %convert_element_type3A_80, %cond3A_82 : i32
    scf.if %cond3A_83 {
      %add3A_176 = arith.constant 512 : i32
      %add3A_177 = arith.addi %mul3A_63, %add3A_176 : i32
      "tpu.region"() ({
        %run_scoped3A_178 = tpu.sem_alloc : memref<!tpu.dma_semaphore, #tpu.memory_space<semaphore_mem>>
        %dma_start3A_179 = arith.constant 0 : i32
        %dma_start3A_180 = arith.constant 0 : i32
        %dma_start3A_181 = tpu.memref_slice %arg6[%cond3A_81, %dma_start3A_179, %dma_start3A_180] : memref<2x128x128xf32, #tpu.memory_space<vmem>> -> memref<1x128x128xf32, #tpu.memory_space<vmem>>
        %dma_start3A_182 = tpu.memref_squeeze %dma_start3A_181 : memref<1x128x128xf32, #tpu.memory_space<vmem>> -> memref<128x128xf32, #tpu.memory_space<vmem>>
        %dma_start3A_183 = arith.constant 0 : i32
        %dma_start3A_184 = tpu.memref_slice %arg7[%add3A_177, %dma_start3A_183] : memref<10000x128xf32, #tpu.memory_space<vmem_shared>> -> memref<128x128xf32, #tpu.memory_space<vmem_shared>>
        %dma_start3A_185 = arith.constant 0 : i32
        %dma_start3A_186 = tpu.memref_slice %arg7[%add3A_177, %dma_start3A_185] : memref<10000x128xf32, #tpu.memory_space<vmem_shared>> -> memref<128x128xf32, #tpu.memory_space<vmem_shared>>
        %dma_start3A_187 = arith.constant 0 : i32
        %dma_start3A_188 = arith.constant 0 : i32
        %dma_start3A_189 = tpu.memref_slice %arg6[%cond3A_81, %dma_start3A_187, %dma_start3A_188] : memref<2x128x128xf32, #tpu.memory_space<vmem>> -> memref<1x128x128xf32, #tpu.memory_space<vmem>>
        %dma_start3A_190 = tpu.memref_squeeze %dma_start3A_189 : memref<1x128x128xf32, #tpu.memory_space<vmem>> -> memref<128x128xf32, #tpu.memory_space<vmem>>
        tpu.enqueue_dma source(%dma_start3A_190 : memref<128x128xf32, #tpu.memory_space<vmem>>) target(%dma_start3A_186 : memref<128x128xf32, #tpu.memory_space<vmem_shared>>) target_semaphore(%run_scoped3A_178 : memref<!tpu.dma_semaphore, #tpu.memory_space<semaphore_mem>>)
        %dma_wait3A_191 = arith.constant 0 : i32
        %dma_wait3A_192 = arith.constant 0 : i32
        %dma_wait3A_193 = tpu.memref_slice %arg6[%cond3A_81, %dma_wait3A_191, %dma_wait3A_192] : memref<2x128x128xf32, #tpu.memory_space<vmem>> -> memref<1x128x128xf32, #tpu.memory_space<vmem>>
        %dma_wait3A_194 = tpu.memref_squeeze %dma_wait3A_193 : memref<1x128x128xf32, #tpu.memory_space<vmem>> -> memref<128x128xf32, #tpu.memory_space<vmem>>
        %dma_wait3A_195 = arith.constant 0 : i32
        %dma_wait3A_196 = tpu.memref_slice %arg7[%add3A_177, %dma_wait3A_195] : memref<10000x128xf32, #tpu.memory_space<vmem_shared>> -> memref<128x128xf32, #tpu.memory_space<vmem_shared>>
        %dma_wait3A_197 = arith.constant 0 : i32
        %dma_wait3A_198 = tpu.memref_slice %arg7[%add3A_177, %dma_wait3A_197] : memref<10000x128xf32, #tpu.memory_space<vmem_shared>> -> memref<128x128xf32, #tpu.memory_space<vmem_shared>>
        %dma_wait3A_199 = arith.constant 0 : i32
        %dma_wait3A_200 = arith.constant 0 : i32
        %dma_wait3A_201 = tpu.memref_slice %arg6[%cond3A_81, %dma_wait3A_199, %dma_wait3A_200] : memref<2x128x128xf32, #tpu.memory_space<vmem>> -> memref<1x128x128xf32, #tpu.memory_space<vmem>>
        %dma_wait3A_202 = tpu.memref_squeeze %dma_wait3A_201 : memref<1x128x128xf32, #tpu.memory_space<vmem>> -> memref<128x128xf32, #tpu.memory_space<vmem>>
        tpu.wait_dma2 semaphore(%run_scoped3A_178 : memref<!tpu.dma_semaphore, #tpu.memory_space<semaphore_mem>>) src(%dma_wait3A_202 : memref<128x128xf32, #tpu.memory_space<vmem>>) dst(%dma_wait3A_198 : memref<128x128xf32, #tpu.memory_space<vmem_shared>>)
        tpu.yield
      }) : () -> ()
    } else {
    }
    %dma_wait3A = arith.constant 0 : i32
    %dma_wait3A_84 = arith.constant 0 : i32
    %dma_wait3A_85 = arith.constant 0 : i32
    %dma_wait3A_86 = tpu.memref_slice %arg5[%dma_wait3A, %dma_wait3A_84, %dma_wait3A_85] : memref<4x2x128xi32, #tpu.memory_space<vmem>> -> memref<1x2x128xi32, #tpu.memory_space<vmem>>
    %dma_wait3A_87 = tpu.memref_squeeze %dma_wait3A_86 : memref<1x2x128xi32, #tpu.memory_space<vmem>> -> memref<2x128xi32, #tpu.memory_space<vmem>>
    %dma_wait3A_88 = arith.constant 0 : i32
    %dma_wait3A_89 = arith.constant 0 : i32
    %dma_wait3A_90 = tpu.memref_slice %arg3[%dma_wait3A_88, %dma_wait3A_89] : memref<2x320000xi32, #tpu.memory_space<hbm>> -> memref<2x128xi32, #tpu.memory_space<hbm>>
    %dma_wait3A_91 = arith.constant 0 : i32
    %dma_wait3A_92 = arith.constant 0 : i32
    %dma_wait3A_93 = tpu.memref_slice %arg5[%dma_wait3A, %dma_wait3A_91, %dma_wait3A_92] : memref<4x2x128xi32, #tpu.memory_space<vmem>> -> memref<1x2x128xi32, #tpu.memory_space<vmem>>
    %dma_wait3A_94 = tpu.memref_squeeze %dma_wait3A_93 : memref<1x2x128xi32, #tpu.memory_space<vmem>> -> memref<2x128xi32, #tpu.memory_space<vmem>>
    %dma_wait3A_95 = arith.constant 0 : i32
    %dma_wait3A_96 = arith.constant 0 : i32
    %dma_wait3A_97 = tpu.memref_slice %arg3[%dma_wait3A_95, %dma_wait3A_96] : memref<2x320000xi32, #tpu.memory_space<hbm>> -> memref<2x128xi32, #tpu.memory_space<hbm>>
    tpu.wait_dma2 semaphore(%arg8 : memref<!tpu.dma_semaphore, #tpu.memory_space<semaphore_mem>>) src(%dma_wait3A_97 : memref<2x128xi32, #tpu.memory_space<hbm>>) dst(%dma_wait3A_94 : memref<2x128xi32, #tpu.memory_space<vmem>>)
    %dma_start3A_98 = arith.constant 0 : i32
    %dma_start3A_99 = arith.constant 0 : i32
    %dma_start3A_100 = arith.constant 0 : i32
    %dma_start3A_101 = arith.constant 0 : i32
    %dma_start3A_102 = arith.constant 0 : i32
    %dma_start3A_103 = tpu.memref_slice %arg6[%dma_start3A_100, %dma_start3A_101, %dma_start3A_102] : memref<2x128x128xf32, #tpu.memory_space<vmem>> -> memref<1x128x128xf32, #tpu.memory_space<vmem>>
    %dma_start3A_104 = tpu.memref_squeeze %dma_start3A_103 : memref<1x128x128xf32, #tpu.memory_space<vmem>> -> memref<128x128xf32, #tpu.memory_space<vmem>>
    %dma_start3A_105 = arith.constant 0 : i32
    %dma_start3A_106 = tpu.memref_slice %arg5[%dma_start3A_98, %dma_start3A_99, %dma_start3A_105] : memref<4x2x128xi32, #tpu.memory_space<vmem>> -> memref<1x1x128xi32, #tpu.memory_space<vmem>>
    %dma_start3A_107 = tpu.memref_squeeze %dma_start3A_106 : memref<1x1x128xi32, #tpu.memory_space<vmem>> -> memref<128xi32, #tpu.memory_space<vmem>>
    %dma_start3A_108 = arith.constant 0 : i32
    %dma_start3A_109 = arith.constant 0 : i32
    %dma_start3A_110 = tpu.memref_slice %arg2[%dma_start3A_108, %dma_start3A_109] : memref<10000x128xf32, #tpu.memory_space<hbm>> -> memref<10000x128xf32, #tpu.memory_space<hbm>>
    tpu.enqueue_indirect_dma source(%dma_start3A_110 : memref<10000x128xf32, #tpu.memory_space<hbm>>) target(%dma_start3A_104 : memref<128x128xf32, #tpu.memory_space<vmem>>) offsets(%dma_start3A_107 : memref<128xi32, #tpu.memory_space<vmem>>) semaphore(%arg9 : memref<!tpu.dma_semaphore, #tpu.memory_space<semaphore_mem>>)
    %barrier3A = arith.constant 0 : index
    tpu.barrier barrier_id(%barrier3A)
    %while3A = arith.constant 0 : i32
    %while3A_111 = arith.constant 0 : i32
    %while3A_112 = arith.subi %add3A_4, %while3A : i32
    %while3A_113 = arith.addi %while3A, %while3A_112 : i32
    %while3A_114 = arith.constant 1 : i32
    %while3A_115 = arith.divsi %while3A_112, %while3A_114 : i32
    %while3A_116 = arith.muli %while3A_115, %while3A_114 : i32
    %while3A_117 = arith.addi %while3A, %while3A_116 : i32
    %while3A_118 = arith.constant 1 : i32
    %while3A_119 = scf.for %while3A_176 = %while3A to %while3A_117 step %while3A_118 iter_args(%while3A_177 = %while3A_111) -> (i32)  : i32 {
      %jit3A_178 = arith.constant 2 : i32
      %eq3A_179 = arith.constant 0 : i32
      %eq3A_180 = arith.cmpi eq, %jit3A_178, %eq3A_179 : i32
      %jit3A_181 = arith.constant 1 : i32
      %select_n3A_182 = arith.select %eq3A_180, %jit3A_181, %jit3A_178 : i32
      %rem3A_183 = arith.remsi %while3A_176, %select_n3A_182 : i32
      %ne3A_184 = arith.constant 0 : i32
      %ne3A_185 = arith.cmpi ne, %rem3A_183, %ne3A_184 : i32
      %lt3A_186 = arith.constant 0 : i32
      %lt3A_187 = arith.cmpi slt, %rem3A_183, %lt3A_186 : i32
      %lt3A_188 = arith.constant 0 : i32
      %lt3A_189 = arith.cmpi slt, %select_n3A_182, %lt3A_188 : i32
      %ne3A_190 = arith.xori %lt3A_187, %lt3A_189 : i1
      %and3A_191 = arith.andi %ne3A_190, %ne3A_185 : i1
      %add3A_192 = arith.addi %rem3A_183, %select_n3A_182 : i32
      %select_n3A_193 = arith.select %and3A_191, %add3A_192, %rem3A_183 : i32
      %add3A_194 = arith.constant 1 : i32
      %add3A_195 = arith.addi %while3A_176, %add3A_194 : i32
      %jit3A_196 = arith.constant 2 : i32
      %eq3A_197 = arith.constant 0 : i32
      %eq3A_198 = arith.cmpi eq, %jit3A_196, %eq3A_197 : i32
      %jit3A_199 = arith.constant 1 : i32
      %select_n3A_200 = arith.select %eq3A_198, %jit3A_199, %jit3A_196 : i32
      %rem3A_201 = arith.remsi %add3A_195, %select_n3A_200 : i32
      %ne3A_202 = arith.constant 0 : i32
      %ne3A_203 = arith.cmpi ne, %rem3A_201, %ne3A_202 : i32
      %lt3A_204 = arith.constant 0 : i32
      %lt3A_205 = arith.cmpi slt, %rem3A_201, %lt3A_204 : i32
      %lt3A_206 = arith.constant 0 : i32
      %lt3A_207 = arith.cmpi slt, %select_n3A_200, %lt3A_206 : i32
      %ne3A_208 = arith.xori %lt3A_205, %lt3A_207 : i1
      %and3A_209 = arith.andi %ne3A_208, %ne3A_203 : i1
      %add3A_210 = arith.addi %rem3A_201, %select_n3A_200 : i32
      %select_n3A_211 = arith.select %and3A_209, %add3A_210, %rem3A_201 : i32
      %jit3A_212 = arith.constant 4 : i32
      %eq3A_213 = arith.constant 0 : i32
      %eq3A_214 = arith.cmpi eq, %jit3A_212, %eq3A_213 : i32
      %jit3A_215 = arith.constant 1 : i32
      %select_n3A_216 = arith.select %eq3A_214, %jit3A_215, %jit3A_212 : i32
      %rem3A_217 = arith.remsi %while3A_176, %select_n3A_216 : i32
      %ne3A_218 = arith.constant 0 : i32
      %ne3A_219 = arith.cmpi ne, %rem3A_217, %ne3A_218 : i32
      %lt3A_220 = arith.constant 0 : i32
      %lt3A_221 = arith.cmpi slt, %rem3A_217, %lt3A_220 : i32
      %lt3A_222 = arith.constant 0 : i32
      %lt3A_223 = arith.cmpi slt, %select_n3A_216, %lt3A_222 : i32
      %ne3A_224 = arith.xori %lt3A_221, %lt3A_223 : i1
      %and3A_225 = arith.andi %ne3A_224, %ne3A_219 : i1
      %add3A_226 = arith.addi %rem3A_217, %select_n3A_216 : i32
      %select_n3A_227 = arith.select %and3A_225, %add3A_226, %rem3A_217 : i32
      %add3A_228 = arith.constant 1 : i32
      %add3A_229 = arith.addi %while3A_176, %add3A_228 : i32
      %jit3A_230 = arith.constant 4 : i32
      %eq3A_231 = arith.constant 0 : i32
      %eq3A_232 = arith.cmpi eq, %jit3A_230, %eq3A_231 : i32
      %jit3A_233 = arith.constant 1 : i32
      %select_n3A_234 = arith.select %eq3A_232, %jit3A_233, %jit3A_230 : i32
      %rem3A_235 = arith.remsi %add3A_229, %select_n3A_234 : i32
      %ne3A_236 = arith.constant 0 : i32
      %ne3A_237 = arith.cmpi ne, %rem3A_235, %ne3A_236 : i32
      %lt3A_238 = arith.constant 0 : i32
      %lt3A_239 = arith.cmpi slt, %rem3A_235, %lt3A_238 : i32
      %lt3A_240 = arith.constant 0 : i32
      %lt3A_241 = arith.cmpi slt, %select_n3A_234, %lt3A_240 : i32
      %ne3A_242 = arith.xori %lt3A_239, %lt3A_241 : i1
      %and3A_243 = arith.andi %ne3A_242, %ne3A_237 : i1
      %add3A_244 = arith.addi %rem3A_235, %select_n3A_234 : i32
      %select_n3A_245 = arith.select %and3A_243, %add3A_244, %rem3A_235 : i32
      %add3A_246 = arith.constant 4 : i32
      %add3A_247 = arith.addi %while3A_176, %add3A_246 : i32
      %sub3A_248 = arith.constant 1 : i32
      %sub3A_249 = arith.subi %add3A_247, %sub3A_248 : i32
      %jit3A_250 = arith.constant 4 : i32
      %eq3A_251 = arith.constant 0 : i32
      %eq3A_252 = arith.cmpi eq, %jit3A_250, %eq3A_251 : i32
      %jit3A_253 = arith.constant 1 : i32
      %select_n3A_254 = arith.select %eq3A_252, %jit3A_253, %jit3A_250 : i32
      %rem3A_255 = arith.remsi %sub3A_249, %select_n3A_254 : i32
      %ne3A_256 = arith.constant 0 : i32
      %ne3A_257 = arith.cmpi ne, %rem3A_255, %ne3A_256 : i32
      %lt3A_258 = arith.constant 0 : i32
      %lt3A_259 = arith.cmpi slt, %rem3A_255, %lt3A_258 : i32
      %lt3A_260 = arith.constant 0 : i32
      %lt3A_261 = arith.cmpi slt, %select_n3A_254, %lt3A_260 : i32
      %ne3A_262 = arith.xori %lt3A_259, %lt3A_261 : i1
      %and3A_263 = arith.andi %ne3A_262, %ne3A_257 : i1
      %add3A_264 = arith.addi %rem3A_255, %select_n3A_254 : i32
      %select_n3A_265 = arith.select %and3A_263, %add3A_264, %rem3A_255 : i32
      %ge3A = arith.constant 1 : i32
      %ge3A_266 = arith.cmpi sge, %while3A_176, %ge3A : i32
      %convert_element_type3A_267 = arith.extui %ge3A_266 : i1 to i32
      %cond3A_268 = arith.constant 0 : i32
      %cond3A_269 = arith.cmpi ne, %convert_element_type3A_267, %cond3A_268 : i32
      scf.if %cond3A_269 {
        %dma_wait3A_308 = arith.constant 1 : i32
        %dma_wait3A_309 = arith.constant 0 : i32
        %dma_wait3A_310 = arith.constant 0 : i32
        %dma_wait3A_311 = tpu.memref_slice %arg6[%select_n3A_211, %dma_wait3A_309, %dma_wait3A_310] : memref<2x128x128xf32, #tpu.memory_space<vmem>> -> memref<1x128x128xf32, #tpu.memory_space<vmem>>
        %dma_wait3A_312 = tpu.memref_squeeze %dma_wait3A_311 : memref<1x128x128xf32, #tpu.memory_space<vmem>> -> memref<128x128xf32, #tpu.memory_space<vmem>>
        %dma_wait3A_313 = arith.constant 0 : i32
        %dma_wait3A_314 = tpu.memref_slice %arg5[%select_n3A_265, %dma_wait3A_308, %dma_wait3A_313] : memref<4x2x128xi32, #tpu.memory_space<vmem>> -> memref<1x1x128xi32, #tpu.memory_space<vmem>>
        %dma_wait3A_315 = tpu.memref_squeeze %dma_wait3A_314 : memref<1x1x128xi32, #tpu.memory_space<vmem>> -> memref<128xi32, #tpu.memory_space<vmem>>
        %dma_wait3A_316 = arith.constant 0 : i32
        %dma_wait3A_317 = arith.constant 0 : i32
        %dma_wait3A_318 = tpu.memref_slice %arg7[%dma_wait3A_316, %dma_wait3A_317] : memref<10000x128xf32, #tpu.memory_space<vmem_shared>> -> memref<10000x128xf32, #tpu.memory_space<vmem_shared>>
        tpu.wait_indirect_dma semaphore(%arg10 : memref<!tpu.dma_semaphore, #tpu.memory_space<semaphore_mem>>) src(%dma_wait3A_312 : memref<128x128xf32, #tpu.memory_space<vmem>>) dst(%dma_wait3A_318 : memref<10000x128xf32, #tpu.memory_space<vmem_shared>>)
      } else {
      }
      %add3A_270 = arith.constant 4 : i32
      %add3A_271 = arith.addi %while3A_176, %add3A_270 : i32
      %sub3A_272 = arith.constant 1 : i32
      %sub3A_273 = arith.subi %add3A_271, %sub3A_272 : i32
      %lt3A_274 = arith.cmpi slt, %sub3A_273, %add3A_4 : i32
      %convert_element_type3A_275 = arith.extui %lt3A_274 : i1 to i32
      %cond3A_276 = arith.constant 0 : i32
      %cond3A_277 = arith.cmpi ne, %convert_element_type3A_275, %cond3A_276 : i32
      scf.if %cond3A_277 {
        %add3A_308 = arith.constant 4 : i32
        %add3A_309 = arith.addi %while3A_176, %add3A_308 : i32
        %sub3A_310 = arith.constant 1 : i32
        %sub3A_311 = arith.subi %add3A_309, %sub3A_310 : i32
        %mul3A_312 = arith.constant 32 : i32
        %mul3A_313 = arith.muli %sub3A_311, %mul3A_312 : i32
        %add3A_314 = arith.addi %add3A, %mul3A_313 : i32
        %mul3A_315 = arith.constant 128 : i32
        %mul3A_316 = arith.muli %add3A_314, %mul3A_315 : i32
        %dma_start3A_317 = arith.constant 0 : i32
        %dma_start3A_318 = arith.constant 0 : i32
        %dma_start3A_319 = tpu.memref_slice %arg5[%select_n3A_265, %dma_start3A_317, %dma_start3A_318] : memref<4x2x128xi32, #tpu.memory_space<vmem>> -> memref<1x2x128xi32, #tpu.memory_space<vmem>>
        %dma_start3A_320 = tpu.memref_squeeze %dma_start3A_319 : memref<1x2x128xi32, #tpu.memory_space<vmem>> -> memref<2x128xi32, #tpu.memory_space<vmem>>
        %dma_start3A_321 = arith.constant 0 : i32
        %dma_start3A_322 = tpu.memref_slice %arg3[%dma_start3A_321, %mul3A_316] : memref<2x320000xi32, #tpu.memory_space<hbm>> -> memref<2x128xi32, #tpu.memory_space<hbm>>
        %dma_start3A_323 = arith.constant 0 : i32
        %dma_start3A_324 = arith.constant 0 : i32
        %dma_start3A_325 = tpu.memref_slice %arg5[%select_n3A_265, %dma_start3A_323, %dma_start3A_324] : memref<4x2x128xi32, #tpu.memory_space<vmem>> -> memref<1x2x128xi32, #tpu.memory_space<vmem>>
        %dma_start3A_326 = tpu.memref_squeeze %dma_start3A_325 : memref<1x2x128xi32, #tpu.memory_space<vmem>> -> memref<2x128xi32, #tpu.memory_space<vmem>>
        %dma_start3A_327 = arith.constant 0 : i32
        %dma_start3A_328 = tpu.memref_slice %arg3[%dma_start3A_327, %mul3A_316] : memref<2x320000xi32, #tpu.memory_space<hbm>> -> memref<2x128xi32, #tpu.memory_space<hbm>>
        tpu.enqueue_dma source(%dma_start3A_328 : memref<2x128xi32, #tpu.memory_space<hbm>>) target(%dma_start3A_326 : memref<2x128xi32, #tpu.memory_space<vmem>>) target_semaphore(%arg8 : memref<!tpu.dma_semaphore, #tpu.memory_space<semaphore_mem>>)
      } else {
      }
      %add3A_278 = arith.constant 1 : i32
      %add3A_279 = arith.addi %while3A_176, %add3A_278 : i32
      %lt3A_280 = arith.cmpi slt, %add3A_279, %add3A_4 : i32
      %convert_element_type3A_281 = arith.extui %lt3A_280 : i1 to i32
      %cond3A_282 = arith.constant 0 : i32
      %cond3A_283 = arith.cmpi ne, %convert_element_type3A_281, %cond3A_282 : i32
      scf.if %cond3A_283 {
        %dma_wait3A_308 = arith.constant 0 : i32
        %dma_wait3A_309 = arith.constant 0 : i32
        %dma_wait3A_310 = tpu.memref_slice %arg5[%select_n3A_245, %dma_wait3A_308, %dma_wait3A_309] : memref<4x2x128xi32, #tpu.memory_space<vmem>> -> memref<1x2x128xi32, #tpu.memory_space<vmem>>
        %dma_wait3A_311 = tpu.memref_squeeze %dma_wait3A_310 : memref<1x2x128xi32, #tpu.memory_space<vmem>> -> memref<2x128xi32, #tpu.memory_space<vmem>>
        %dma_wait3A_312 = arith.constant 0 : i32
        %dma_wait3A_313 = arith.constant 0 : i32
        %dma_wait3A_314 = tpu.memref_slice %arg3[%dma_wait3A_312, %dma_wait3A_313] : memref<2x320000xi32, #tpu.memory_space<hbm>> -> memref<2x128xi32, #tpu.memory_space<hbm>>
        %dma_wait3A_315 = arith.constant 0 : i32
        %dma_wait3A_316 = arith.constant 0 : i32
        %dma_wait3A_317 = tpu.memref_slice %arg5[%select_n3A_245, %dma_wait3A_315, %dma_wait3A_316] : memref<4x2x128xi32, #tpu.memory_space<vmem>> -> memref<1x2x128xi32, #tpu.memory_space<vmem>>
        %dma_wait3A_318 = tpu.memref_squeeze %dma_wait3A_317 : memref<1x2x128xi32, #tpu.memory_space<vmem>> -> memref<2x128xi32, #tpu.memory_space<vmem>>
        %dma_wait3A_319 = arith.constant 0 : i32
        %dma_wait3A_320 = arith.constant 0 : i32
        %dma_wait3A_321 = tpu.memref_slice %arg3[%dma_wait3A_319, %dma_wait3A_320] : memref<2x320000xi32, #tpu.memory_space<hbm>> -> memref<2x128xi32, #tpu.memory_space<hbm>>
        tpu.wait_dma2 semaphore(%arg8 : memref<!tpu.dma_semaphore, #tpu.memory_space<semaphore_mem>>) src(%dma_wait3A_321 : memref<2x128xi32, #tpu.memory_space<hbm>>) dst(%dma_wait3A_318 : memref<2x128xi32, #tpu.memory_space<vmem>>)
        %dma_start3A_322 = arith.constant 0 : i32
        %dma_start3A_323 = arith.constant 0 : i32
        %dma_start3A_324 = arith.constant 0 : i32
        %dma_start3A_325 = tpu.memref_slice %arg6[%select_n3A_211, %dma_start3A_323, %dma_start3A_324] : memref<2x128x128xf32, #tpu.memory_space<vmem>> -> memref<1x128x128xf32, #tpu.memory_space<vmem>>
        %dma_start3A_326 = tpu.memref_squeeze %dma_start3A_325 : memref<1x128x128xf32, #tpu.memory_space<vmem>> -> memref<128x128xf32, #tpu.memory_space<vmem>>
        %dma_start3A_327 = arith.constant 0 : i32
        %dma_start3A_328 = tpu.memref_slice %arg5[%select_n3A_245, %dma_start3A_322, %dma_start3A_327] : memref<4x2x128xi32, #tpu.memory_space<vmem>> -> memref<1x1x128xi32, #tpu.memory_space<vmem>>
        %dma_start3A_329 = tpu.memref_squeeze %dma_start3A_328 : memref<1x1x128xi32, #tpu.memory_space<vmem>> -> memref<128xi32, #tpu.memory_space<vmem>>
        %dma_start3A_330 = arith.constant 0 : i32
        %dma_start3A_331 = arith.constant 0 : i32
        %dma_start3A_332 = tpu.memref_slice %arg2[%dma_start3A_330, %dma_start3A_331] : memref<10000x128xf32, #tpu.memory_space<hbm>> -> memref<10000x128xf32, #tpu.memory_space<hbm>>
        tpu.enqueue_indirect_dma source(%dma_start3A_332 : memref<10000x128xf32, #tpu.memory_space<hbm>>) target(%dma_start3A_326 : memref<128x128xf32, #tpu.memory_space<vmem>>) offsets(%dma_start3A_329 : memref<128xi32, #tpu.memory_space<vmem>>) semaphore(%arg9 : memref<!tpu.dma_semaphore, #tpu.memory_space<semaphore_mem>>)
      } else {
      }
      %dma_wait3A_284 = arith.constant 0 : i32
      %dma_wait3A_285 = arith.constant 0 : i32
      %dma_wait3A_286 = arith.constant 0 : i32
      %dma_wait3A_287 = arith.constant 0 : i32
      %dma_wait3A_288 = tpu.memref_slice %arg6[%select_n3A_193, %dma_wait3A_286, %dma_wait3A_287] : memref<2x128x128xf32, #tpu.memory_space<vmem>> -> memref<1x128x128xf32, #tpu.memory_space<vmem>>
      %dma_wait3A_289 = tpu.memref_squeeze %dma_wait3A_288 : memref<1x128x128xf32, #tpu.memory_space<vmem>> -> memref<128x128xf32, #tpu.memory_space<vmem>>
      %dma_wait3A_290 = arith.constant 0 : i32
      %dma_wait3A_291 = tpu.memref_slice %arg5[%dma_wait3A_284, %dma_wait3A_285, %dma_wait3A_290] : memref<4x2x128xi32, #tpu.memory_space<vmem>> -> memref<1x1x128xi32, #tpu.memory_space<vmem>>
      %dma_wait3A_292 = tpu.memref_squeeze %dma_wait3A_291 : memref<1x1x128xi32, #tpu.memory_space<vmem>> -> memref<128xi32, #tpu.memory_space<vmem>>
      %dma_wait3A_293 = arith.constant 0 : i32
      %dma_wait3A_294 = arith.constant 0 : i32
      %dma_wait3A_295 = tpu.memref_slice %arg2[%dma_wait3A_293, %dma_wait3A_294] : memref<10000x128xf32, #tpu.memory_space<hbm>> -> memref<10000x128xf32, #tpu.memory_space<hbm>>
      tpu.wait_indirect_dma semaphore(%arg9 : memref<!tpu.dma_semaphore, #tpu.memory_space<semaphore_mem>>) src(%dma_wait3A_295 : memref<10000x128xf32, #tpu.memory_space<hbm>>) dst(%dma_wait3A_289 : memref<128x128xf32, #tpu.memory_space<vmem>>)
      %dma_start3A_296 = arith.constant 1 : i32
      %dma_start3A_297 = arith.constant 0 : i32
      %dma_start3A_298 = arith.constant 0 : i32
      %dma_start3A_299 = tpu.memref_slice %arg6[%select_n3A_193, %dma_start3A_297, %dma_start3A_298] : memref<2x128x128xf32, #tpu.memory_space<vmem>> -> memref<1x128x128xf32, #tpu.memory_space<vmem>>
      %dma_start3A_300 = tpu.memref_squeeze %dma_start3A_299 : memref<1x128x128xf32, #tpu.memory_space<vmem>> -> memref<128x128xf32, #tpu.memory_space<vmem>>
      %dma_start3A_301 = arith.constant 0 : i32
      %dma_start3A_302 = tpu.memref_slice %arg5[%select_n3A_227, %dma_start3A_296, %dma_start3A_301] : memref<4x2x128xi32, #tpu.memory_space<vmem>> -> memref<1x1x128xi32, #tpu.memory_space<vmem>>
      %dma_start3A_303 = tpu.memref_squeeze %dma_start3A_302 : memref<1x1x128xi32, #tpu.memory_space<vmem>> -> memref<128xi32, #tpu.memory_space<vmem>>
      %dma_start3A_304 = arith.constant 0 : i32
      %dma_start3A_305 = arith.constant 0 : i32
      %dma_start3A_306 = tpu.memref_slice %arg7[%dma_start3A_304, %dma_start3A_305] : memref<10000x128xf32, #tpu.memory_space<vmem_shared>> -> memref<10000x128xf32, #tpu.memory_space<vmem_shared>>
      tpu.enqueue_indirect_dma source(%dma_start3A_300 : memref<128x128xf32, #tpu.memory_space<vmem>>) target(%dma_start3A_306 : memref<10000x128xf32, #tpu.memory_space<vmem_shared>>) offsets(%dma_start3A_303 : memref<128xi32, #tpu.memory_space<vmem>>) semaphore(%arg10 : memref<!tpu.dma_semaphore, #tpu.memory_space<semaphore_mem>>) {add = true}
      %while3A_307 = arith.constant 0 : i32
      scf.yield %while3A_307 : i32
    }
    %while3A_120 = arith.constant 1 : i32
    %while3A_121 = scf.for %while3A_176 = %while3A_117 to %while3A_113 step %while3A_120 iter_args(%while3A_177 = %while3A_119) -> (i32)  : i32 {
      %jit3A_178 = arith.constant 2 : i32
      %eq3A_179 = arith.constant 0 : i32
      %eq3A_180 = arith.cmpi eq, %jit3A_178, %eq3A_179 : i32
      %jit3A_181 = arith.constant 1 : i32
      %select_n3A_182 = arith.select %eq3A_180, %jit3A_181, %jit3A_178 : i32
      %rem3A_183 = arith.remsi %while3A_176, %select_n3A_182 : i32
      %ne3A_184 = arith.constant 0 : i32
      %ne3A_185 = arith.cmpi ne, %rem3A_183, %ne3A_184 : i32
      %lt3A_186 = arith.constant 0 : i32
      %lt3A_187 = arith.cmpi slt, %rem3A_183, %lt3A_186 : i32
      %lt3A_188 = arith.constant 0 : i32
      %lt3A_189 = arith.cmpi slt, %select_n3A_182, %lt3A_188 : i32
      %ne3A_190 = arith.xori %lt3A_187, %lt3A_189 : i1
      %and3A_191 = arith.andi %ne3A_190, %ne3A_185 : i1
      %add3A_192 = arith.addi %rem3A_183, %select_n3A_182 : i32
      %select_n3A_193 = arith.select %and3A_191, %add3A_192, %rem3A_183 : i32
      %add3A_194 = arith.constant 1 : i32
      %add3A_195 = arith.addi %while3A_176, %add3A_194 : i32
      %jit3A_196 = arith.constant 2 : i32
      %eq3A_197 = arith.constant 0 : i32
      %eq3A_198 = arith.cmpi eq, %jit3A_196, %eq3A_197 : i32
      %jit3A_199 = arith.constant 1 : i32
      %select_n3A_200 = arith.select %eq3A_198, %jit3A_199, %jit3A_196 : i32
      %rem3A_201 = arith.remsi %add3A_195, %select_n3A_200 : i32
      %ne3A_202 = arith.constant 0 : i32
      %ne3A_203 = arith.cmpi ne, %rem3A_201, %ne3A_202 : i32
      %lt3A_204 = arith.constant 0 : i32
      %lt3A_205 = arith.cmpi slt, %rem3A_201, %lt3A_204 : i32
      %lt3A_206 = arith.constant 0 : i32
      %lt3A_207 = arith.cmpi slt, %select_n3A_200, %lt3A_206 : i32
      %ne3A_208 = arith.xori %lt3A_205, %lt3A_207 : i1
      %and3A_209 = arith.andi %ne3A_208, %ne3A_203 : i1
      %add3A_210 = arith.addi %rem3A_201, %select_n3A_200 : i32
      %select_n3A_211 = arith.select %and3A_209, %add3A_210, %rem3A_201 : i32
      %jit3A_212 = arith.constant 4 : i32
      %eq3A_213 = arith.constant 0 : i32
      %eq3A_214 = arith.cmpi eq, %jit3A_212, %eq3A_213 : i32
      %jit3A_215 = arith.constant 1 : i32
      %select_n3A_216 = arith.select %eq3A_214, %jit3A_215, %jit3A_212 : i32
      %rem3A_217 = arith.remsi %while3A_176, %select_n3A_216 : i32
      %ne3A_218 = arith.constant 0 : i32
      %ne3A_219 = arith.cmpi ne, %rem3A_217, %ne3A_218 : i32
      %lt3A_220 = arith.constant 0 : i32
      %lt3A_221 = arith.cmpi slt, %rem3A_217, %lt3A_220 : i32
      %lt3A_222 = arith.constant 0 : i32
      %lt3A_223 = arith.cmpi slt, %select_n3A_216, %lt3A_222 : i32
      %ne3A_224 = arith.xori %lt3A_221, %lt3A_223 : i1
      %and3A_225 = arith.andi %ne3A_224, %ne3A_219 : i1
      %add3A_226 = arith.addi %rem3A_217, %select_n3A_216 : i32
      %select_n3A_227 = arith.select %and3A_225, %add3A_226, %rem3A_217 : i32
      %add3A_228 = arith.constant 1 : i32
      %add3A_229 = arith.addi %while3A_176, %add3A_228 : i32
      %jit3A_230 = arith.constant 4 : i32
      %eq3A_231 = arith.constant 0 : i32
      %eq3A_232 = arith.cmpi eq, %jit3A_230, %eq3A_231 : i32
      %jit3A_233 = arith.constant 1 : i32
      %select_n3A_234 = arith.select %eq3A_232, %jit3A_233, %jit3A_230 : i32
      %rem3A_235 = arith.remsi %add3A_229, %select_n3A_234 : i32
      %ne3A_236 = arith.constant 0 : i32
      %ne3A_237 = arith.cmpi ne, %rem3A_235, %ne3A_236 : i32
      %lt3A_238 = arith.constant 0 : i32
      %lt3A_239 = arith.cmpi slt, %rem3A_235, %lt3A_238 : i32
      %lt3A_240 = arith.constant 0 : i32
      %lt3A_241 = arith.cmpi slt, %select_n3A_234, %lt3A_240 : i32
      %ne3A_242 = arith.xori %lt3A_239, %lt3A_241 : i1
      %and3A_243 = arith.andi %ne3A_242, %ne3A_237 : i1
      %add3A_244 = arith.addi %rem3A_235, %select_n3A_234 : i32
      %select_n3A_245 = arith.select %and3A_243, %add3A_244, %rem3A_235 : i32
      %add3A_246 = arith.constant 4 : i32
      %add3A_247 = arith.addi %while3A_176, %add3A_246 : i32
      %sub3A_248 = arith.constant 1 : i32
      %sub3A_249 = arith.subi %add3A_247, %sub3A_248 : i32
      %jit3A_250 = arith.constant 4 : i32
      %eq3A_251 = arith.constant 0 : i32
      %eq3A_252 = arith.cmpi eq, %jit3A_250, %eq3A_251 : i32
      %jit3A_253 = arith.constant 1 : i32
      %select_n3A_254 = arith.select %eq3A_252, %jit3A_253, %jit3A_250 : i32
      %rem3A_255 = arith.remsi %sub3A_249, %select_n3A_254 : i32
      %ne3A_256 = arith.constant 0 : i32
      %ne3A_257 = arith.cmpi ne, %rem3A_255, %ne3A_256 : i32
      %lt3A_258 = arith.constant 0 : i32
      %lt3A_259 = arith.cmpi slt, %rem3A_255, %lt3A_258 : i32
      %lt3A_260 = arith.constant 0 : i32
      %lt3A_261 = arith.cmpi slt, %select_n3A_254, %lt3A_260 : i32
      %ne3A_262 = arith.xori %lt3A_259, %lt3A_261 : i1
      %and3A_263 = arith.andi %ne3A_262, %ne3A_257 : i1
      %add3A_264 = arith.addi %rem3A_255, %select_n3A_254 : i32
      %select_n3A_265 = arith.select %and3A_263, %add3A_264, %rem3A_255 : i32
      %ge3A = arith.constant 1 : i32
      %ge3A_266 = arith.cmpi sge, %while3A_176, %ge3A : i32
      %convert_element_type3A_267 = arith.extui %ge3A_266 : i1 to i32
      %cond3A_268 = arith.constant 0 : i32
      %cond3A_269 = arith.cmpi ne, %convert_element_type3A_267, %cond3A_268 : i32
      scf.if %cond3A_269 {
        %dma_wait3A_308 = arith.constant 1 : i32
        %dma_wait3A_309 = arith.constant 0 : i32
        %dma_wait3A_310 = arith.constant 0 : i32
        %dma_wait3A_311 = tpu.memref_slice %arg6[%select_n3A_211, %dma_wait3A_309, %dma_wait3A_310] : memref<2x128x128xf32, #tpu.memory_space<vmem>> -> memref<1x128x128xf32, #tpu.memory_space<vmem>>
        %dma_wait3A_312 = tpu.memref_squeeze %dma_wait3A_311 : memref<1x128x128xf32, #tpu.memory_space<vmem>> -> memref<128x128xf32, #tpu.memory_space<vmem>>
        %dma_wait3A_313 = arith.constant 0 : i32
        %dma_wait3A_314 = tpu.memref_slice %arg5[%select_n3A_265, %dma_wait3A_308, %dma_wait3A_313] : memref<4x2x128xi32, #tpu.memory_space<vmem>> -> memref<1x1x128xi32, #tpu.memory_space<vmem>>
        %dma_wait3A_315 = tpu.memref_squeeze %dma_wait3A_314 : memref<1x1x128xi32, #tpu.memory_space<vmem>> -> memref<128xi32, #tpu.memory_space<vmem>>
        %dma_wait3A_316 = arith.constant 0 : i32
        %dma_wait3A_317 = arith.constant 0 : i32
        %dma_wait3A_318 = tpu.memref_slice %arg7[%dma_wait3A_316, %dma_wait3A_317] : memref<10000x128xf32, #tpu.memory_space<vmem_shared>> -> memref<10000x128xf32, #tpu.memory_space<vmem_shared>>
        tpu.wait_indirect_dma semaphore(%arg10 : memref<!tpu.dma_semaphore, #tpu.memory_space<semaphore_mem>>) src(%dma_wait3A_312 : memref<128x128xf32, #tpu.memory_space<vmem>>) dst(%dma_wait3A_318 : memref<10000x128xf32, #tpu.memory_space<vmem_shared>>)
      } else {
      }
      %add3A_270 = arith.constant 4 : i32
      %add3A_271 = arith.addi %while3A_176, %add3A_270 : i32
      %sub3A_272 = arith.constant 1 : i32
      %sub3A_273 = arith.subi %add3A_271, %sub3A_272 : i32
      %lt3A_274 = arith.cmpi slt, %sub3A_273, %add3A_4 : i32
      %convert_element_type3A_275 = arith.extui %lt3A_274 : i1 to i32
      %cond3A_276 = arith.constant 0 : i32
      %cond3A_277 = arith.cmpi ne, %convert_element_type3A_275, %cond3A_276 : i32
      scf.if %cond3A_277 {
        %add3A_308 = arith.constant 4 : i32
        %add3A_309 = arith.addi %while3A_176, %add3A_308 : i32
        %sub3A_310 = arith.constant 1 : i32
        %sub3A_311 = arith.subi %add3A_309, %sub3A_310 : i32
        %mul3A_312 = arith.constant 32 : i32
        %mul3A_313 = arith.muli %sub3A_311, %mul3A_312 : i32
        %add3A_314 = arith.addi %add3A, %mul3A_313 : i32
        %mul3A_315 = arith.constant 128 : i32
        %mul3A_316 = arith.muli %add3A_314, %mul3A_315 : i32
        %dma_start3A_317 = arith.constant 0 : i32
        %dma_start3A_318 = arith.constant 0 : i32
        %dma_start3A_319 = tpu.memref_slice %arg5[%select_n3A_265, %dma_start3A_317, %dma_start3A_318] : memref<4x2x128xi32, #tpu.memory_space<vmem>> -> memref<1x2x128xi32, #tpu.memory_space<vmem>>
        %dma_start3A_320 = tpu.memref_squeeze %dma_start3A_319 : memref<1x2x128xi32, #tpu.memory_space<vmem>> -> memref<2x128xi32, #tpu.memory_space<vmem>>
        %dma_start3A_321 = arith.constant 0 : i32
        %dma_start3A_322 = tpu.memref_slice %arg3[%dma_start3A_321, %mul3A_316] : memref<2x320000xi32, #tpu.memory_space<hbm>> -> memref<2x128xi32, #tpu.memory_space<hbm>>
        %dma_start3A_323 = arith.constant 0 : i32
        %dma_start3A_324 = arith.constant 0 : i32
        %dma_start3A_325 = tpu.memref_slice %arg5[%select_n3A_265, %dma_start3A_323, %dma_start3A_324] : memref<4x2x128xi32, #tpu.memory_space<vmem>> -> memref<1x2x128xi32, #tpu.memory_space<vmem>>
        %dma_start3A_326 = tpu.memref_squeeze %dma_start3A_325 : memref<1x2x128xi32, #tpu.memory_space<vmem>> -> memref<2x128xi32, #tpu.memory_space<vmem>>
        %dma_start3A_327 = arith.constant 0 : i32
        %dma_start3A_328 = tpu.memref_slice %arg3[%dma_start3A_327, %mul3A_316] : memref<2x320000xi32, #tpu.memory_space<hbm>> -> memref<2x128xi32, #tpu.memory_space<hbm>>
        tpu.enqueue_dma source(%dma_start3A_328 : memref<2x128xi32, #tpu.memory_space<hbm>>) target(%dma_start3A_326 : memref<2x128xi32, #tpu.memory_space<vmem>>) target_semaphore(%arg8 : memref<!tpu.dma_semaphore, #tpu.memory_space<semaphore_mem>>)
      } else {
      }
      %add3A_278 = arith.constant 1 : i32
      %add3A_279 = arith.addi %while3A_176, %add3A_278 : i32
      %lt3A_280 = arith.cmpi slt, %add3A_279, %add3A_4 : i32
      %convert_element_type3A_281 = arith.extui %lt3A_280 : i1 to i32
      %cond3A_282 = arith.constant 0 : i32
      %cond3A_283 = arith.cmpi ne, %convert_element_type3A_281, %cond3A_282 : i32
      scf.if %cond3A_283 {
        %dma_wait3A_308 = arith.constant 0 : i32
        %dma_wait3A_309 = arith.constant 0 : i32
        %dma_wait3A_310 = tpu.memref_slice %arg5[%select_n3A_245, %dma_wait3A_308, %dma_wait3A_309] : memref<4x2x128xi32, #tpu.memory_space<vmem>> -> memref<1x2x128xi32, #tpu.memory_space<vmem>>
        %dma_wait3A_311 = tpu.memref_squeeze %dma_wait3A_310 : memref<1x2x128xi32, #tpu.memory_space<vmem>> -> memref<2x128xi32, #tpu.memory_space<vmem>>
        %dma_wait3A_312 = arith.constant 0 : i32
        %dma_wait3A_313 = arith.constant 0 : i32
        %dma_wait3A_314 = tpu.memref_slice %arg3[%dma_wait3A_312, %dma_wait3A_313] : memref<2x320000xi32, #tpu.memory_space<hbm>> -> memref<2x128xi32, #tpu.memory_space<hbm>>
        %dma_wait3A_315 = arith.constant 0 : i32
        %dma_wait3A_316 = arith.constant 0 : i32
        %dma_wait3A_317 = tpu.memref_slice %arg5[%select_n3A_245, %dma_wait3A_315, %dma_wait3A_316] : memref<4x2x128xi32, #tpu.memory_space<vmem>> -> memref<1x2x128xi32, #tpu.memory_space<vmem>>
        %dma_wait3A_318 = tpu.memref_squeeze %dma_wait3A_317 : memref<1x2x128xi32, #tpu.memory_space<vmem>> -> memref<2x128xi32, #tpu.memory_space<vmem>>
        %dma_wait3A_319 = arith.constant 0 : i32
        %dma_wait3A_320 = arith.constant 0 : i32
        %dma_wait3A_321 = tpu.memref_slice %arg3[%dma_wait3A_319, %dma_wait3A_320] : memref<2x320000xi32, #tpu.memory_space<hbm>> -> memref<2x128xi32, #tpu.memory_space<hbm>>
        tpu.wait_dma2 semaphore(%arg8 : memref<!tpu.dma_semaphore, #tpu.memory_space<semaphore_mem>>) src(%dma_wait3A_321 : memref<2x128xi32, #tpu.memory_space<hbm>>) dst(%dma_wait3A_318 : memref<2x128xi32, #tpu.memory_space<vmem>>)
        %dma_start3A_322 = arith.constant 0 : i32
        %dma_start3A_323 = arith.constant 0 : i32
        %dma_start3A_324 = arith.constant 0 : i32
        %dma_start3A_325 = tpu.memref_slice %arg6[%select_n3A_211, %dma_start3A_323, %dma_start3A_324] : memref<2x128x128xf32, #tpu.memory_space<vmem>> -> memref<1x128x128xf32, #tpu.memory_space<vmem>>
        %dma_start3A_326 = tpu.memref_squeeze %dma_start3A_325 : memref<1x128x128xf32, #tpu.memory_space<vmem>> -> memref<128x128xf32, #tpu.memory_space<vmem>>
        %dma_start3A_327 = arith.constant 0 : i32
        %dma_start3A_328 = tpu.memref_slice %arg5[%select_n3A_245, %dma_start3A_322, %dma_start3A_327] : memref<4x2x128xi32, #tpu.memory_space<vmem>> -> memref<1x1x128xi32, #tpu.memory_space<vmem>>
        %dma_start3A_329 = tpu.memref_squeeze %dma_start3A_328 : memref<1x1x128xi32, #tpu.memory_space<vmem>> -> memref<128xi32, #tpu.memory_space<vmem>>
        %dma_start3A_330 = arith.constant 0 : i32
        %dma_start3A_331 = arith.constant 0 : i32
        %dma_start3A_332 = tpu.memref_slice %arg2[%dma_start3A_330, %dma_start3A_331] : memref<10000x128xf32, #tpu.memory_space<hbm>> -> memref<10000x128xf32, #tpu.memory_space<hbm>>
        tpu.enqueue_indirect_dma source(%dma_start3A_332 : memref<10000x128xf32, #tpu.memory_space<hbm>>) target(%dma_start3A_326 : memref<128x128xf32, #tpu.memory_space<vmem>>) offsets(%dma_start3A_329 : memref<128xi32, #tpu.memory_space<vmem>>) semaphore(%arg9 : memref<!tpu.dma_semaphore, #tpu.memory_space<semaphore_mem>>)
      } else {
      }
      %dma_wait3A_284 = arith.constant 0 : i32
      %dma_wait3A_285 = arith.constant 0 : i32
      %dma_wait3A_286 = arith.constant 0 : i32
      %dma_wait3A_287 = arith.constant 0 : i32
      %dma_wait3A_288 = tpu.memref_slice %arg6[%select_n3A_193, %dma_wait3A_286, %dma_wait3A_287] : memref<2x128x128xf32, #tpu.memory_space<vmem>> -> memref<1x128x128xf32, #tpu.memory_space<vmem>>
      %dma_wait3A_289 = tpu.memref_squeeze %dma_wait3A_288 : memref<1x128x128xf32, #tpu.memory_space<vmem>> -> memref<128x128xf32, #tpu.memory_space<vmem>>
      %dma_wait3A_290 = arith.constant 0 : i32
      %dma_wait3A_291 = tpu.memref_slice %arg5[%dma_wait3A_284, %dma_wait3A_285, %dma_wait3A_290] : memref<4x2x128xi32, #tpu.memory_space<vmem>> -> memref<1x1x128xi32, #tpu.memory_space<vmem>>
      %dma_wait3A_292 = tpu.memref_squeeze %dma_wait3A_291 : memref<1x1x128xi32, #tpu.memory_space<vmem>> -> memref<128xi32, #tpu.memory_space<vmem>>
      %dma_wait3A_293 = arith.constant 0 : i32
      %dma_wait3A_294 = arith.constant 0 : i32
      %dma_wait3A_295 = tpu.memref_slice %arg2[%dma_wait3A_293, %dma_wait3A_294] : memref<10000x128xf32, #tpu.memory_space<hbm>> -> memref<10000x128xf32, #tpu.memory_space<hbm>>
      tpu.wait_indirect_dma semaphore(%arg9 : memref<!tpu.dma_semaphore, #tpu.memory_space<semaphore_mem>>) src(%dma_wait3A_295 : memref<10000x128xf32, #tpu.memory_space<hbm>>) dst(%dma_wait3A_289 : memref<128x128xf32, #tpu.memory_space<vmem>>)
      %dma_start3A_296 = arith.constant 1 : i32
      %dma_start3A_297 = arith.constant 0 : i32
      %dma_start3A_298 = arith.constant 0 : i32
      %dma_start3A_299 = tpu.memref_slice %arg6[%select_n3A_193, %dma_start3A_297, %dma_start3A_298] : memref<2x128x128xf32, #tpu.memory_space<vmem>> -> memref<1x128x128xf32, #tpu.memory_space<vmem>>
      %dma_start3A_300 = tpu.memref_squeeze %dma_start3A_299 : memref<1x128x128xf32, #tpu.memory_space<vmem>> -> memref<128x128xf32, #tpu.memory_space<vmem>>
      %dma_start3A_301 = arith.constant 0 : i32
      %dma_start3A_302 = tpu.memref_slice %arg5[%select_n3A_227, %dma_start3A_296, %dma_start3A_301] : memref<4x2x128xi32, #tpu.memory_space<vmem>> -> memref<1x1x128xi32, #tpu.memory_space<vmem>>
      %dma_start3A_303 = tpu.memref_squeeze %dma_start3A_302 : memref<1x1x128xi32, #tpu.memory_space<vmem>> -> memref<128xi32, #tpu.memory_space<vmem>>
      %dma_start3A_304 = arith.constant 0 : i32
      %dma_start3A_305 = arith.constant 0 : i32
      %dma_start3A_306 = tpu.memref_slice %arg7[%dma_start3A_304, %dma_start3A_305] : memref<10000x128xf32, #tpu.memory_space<vmem_shared>> -> memref<10000x128xf32, #tpu.memory_space<vmem_shared>>
      tpu.enqueue_indirect_dma source(%dma_start3A_300 : memref<128x128xf32, #tpu.memory_space<vmem>>) target(%dma_start3A_306 : memref<10000x128xf32, #tpu.memory_space<vmem_shared>>) offsets(%dma_start3A_303 : memref<128xi32, #tpu.memory_space<vmem>>) semaphore(%arg10 : memref<!tpu.dma_semaphore, #tpu.memory_space<semaphore_mem>>) {add = true}
      %while3A_307 = arith.constant 0 : i32
      scf.yield %while3A_307 : i32
    }
    %sub3A = arith.constant 1 : i32
    %sub3A_122 = arith.subi %add3A_4, %sub3A : i32
    %jit3A_123 = arith.constant 2 : i32
    %eq3A_124 = arith.constant 0 : i32
    %eq3A_125 = arith.cmpi eq, %jit3A_123, %eq3A_124 : i32
    %jit3A_126 = arith.constant 1 : i32
    %select_n3A_127 = arith.select %eq3A_125, %jit3A_126, %jit3A_123 : i32
    %rem3A = arith.remsi %sub3A_122, %select_n3A_127 : i32
    %ne3A = arith.constant 0 : i32
    %ne3A_128 = arith.cmpi ne, %rem3A, %ne3A : i32
    %lt3A_129 = arith.constant 0 : i32
    %lt3A_130 = arith.cmpi slt, %rem3A, %lt3A_129 : i32
    %lt3A_131 = arith.constant 0 : i32
    %lt3A_132 = arith.cmpi slt, %select_n3A_127, %lt3A_131 : i32
    %ne3A_133 = arith.xori %lt3A_130, %lt3A_132 : i1
    %and3A = arith.andi %ne3A_133, %ne3A_128 : i1
    %add3A_134 = arith.addi %rem3A, %select_n3A_127 : i32
    %select_n3A_135 = arith.select %and3A, %add3A_134, %rem3A : i32
    %sub3A_136 = arith.constant 1 : i32
    %sub3A_137 = arith.subi %add3A_4, %sub3A_136 : i32
    %jit3A_138 = arith.constant 4 : i32
    %eq3A_139 = arith.constant 0 : i32
    %eq3A_140 = arith.cmpi eq, %jit3A_138, %eq3A_139 : i32
    %jit3A_141 = arith.constant 1 : i32
    %select_n3A_142 = arith.select %eq3A_140, %jit3A_141, %jit3A_138 : i32
    %rem3A_143 = arith.remsi %sub3A_137, %select_n3A_142 : i32
    %ne3A_144 = arith.constant 0 : i32
    %ne3A_145 = arith.cmpi ne, %rem3A_143, %ne3A_144 : i32
    %lt3A_146 = arith.constant 0 : i32
    %lt3A_147 = arith.cmpi slt, %rem3A_143, %lt3A_146 : i32
    %lt3A_148 = arith.constant 0 : i32
    %lt3A_149 = arith.cmpi slt, %select_n3A_142, %lt3A_148 : i32
    %ne3A_150 = arith.xori %lt3A_147, %lt3A_149 : i1
    %and3A_151 = arith.andi %ne3A_150, %ne3A_145 : i1
    %add3A_152 = arith.addi %rem3A_143, %select_n3A_142 : i32
    %select_n3A_153 = arith.select %and3A_151, %add3A_152, %rem3A_143 : i32
    %dma_wait3A_154 = arith.constant 1 : i32
    %dma_wait3A_155 = arith.constant 0 : i32
    %dma_wait3A_156 = arith.constant 0 : i32
    %dma_wait3A_157 = tpu.memref_slice %arg6[%select_n3A_135, %dma_wait3A_155, %dma_wait3A_156] : memref<2x128x128xf32, #tpu.memory_space<vmem>> -> memref<1x128x128xf32, #tpu.memory_space<vmem>>
    %dma_wait3A_158 = tpu.memref_squeeze %dma_wait3A_157 : memref<1x128x128xf32, #tpu.memory_space<vmem>> -> memref<128x128xf32, #tpu.memory_space<vmem>>
    %dma_wait3A_159 = arith.constant 0 : i32
    %dma_wait3A_160 = tpu.memref_slice %arg5[%select_n3A_153, %dma_wait3A_154, %dma_wait3A_159] : memref<4x2x128xi32, #tpu.memory_space<vmem>> -> memref<1x1x128xi32, #tpu.memory_space<vmem>>
    %dma_wait3A_161 = tpu.memref_squeeze %dma_wait3A_160 : memref<1x1x128xi32, #tpu.memory_space<vmem>> -> memref<128xi32, #tpu.memory_space<vmem>>
    %dma_wait3A_162 = arith.constant 0 : i32
    %dma_wait3A_163 = arith.constant 0 : i32
    %dma_wait3A_164 = tpu.memref_slice %arg7[%dma_wait3A_162, %dma_wait3A_163] : memref<10000x128xf32, #tpu.memory_space<vmem_shared>> -> memref<10000x128xf32, #tpu.memory_space<vmem_shared>>
    tpu.wait_indirect_dma semaphore(%arg10 : memref<!tpu.dma_semaphore, #tpu.memory_space<semaphore_mem>>) src(%dma_wait3A_158 : memref<128x128xf32, #tpu.memory_space<vmem>>) dst(%dma_wait3A_164 : memref<10000x128xf32, #tpu.memory_space<vmem_shared>>)
    %barrier3A_165 = arith.constant 0 : index
    tpu.barrier barrier_id(%barrier3A_165)
    %lt3A_166 = arith.constant 15 : i32
    %lt3A_167 = arith.cmpi slt, %arg1, %lt3A_166 : i32
    %convert_element_type3A_168 = arith.extui %lt3A_167 : i1 to i32
    %cond3A_169 = arith.constant 0 : i32
    %cond3A_170 = arith.cmpi ne, %convert_element_type3A_168, %cond3A_169 : i32
    scf.if %cond3A_170 {
      "tpu.region"() ({
        %run_scoped3A_176 = tpu.sem_alloc : memref<!tpu.dma_semaphore, #tpu.memory_space<semaphore_mem>>
        %dma_start3A_177 = arith.constant 0 : i32
        %dma_start3A_178 = tpu.memref_slice %arg4[%arg0, %mul3A_63, %dma_start3A_177] : memref<2x10000x128xf32, #tpu.memory_space<hbm>> -> memref<1x624x128xf32, #tpu.memory_space<hbm>>
        %dma_start3A_179 = tpu.memref_squeeze %dma_start3A_178 : memref<1x624x128xf32, #tpu.memory_space<hbm>> -> memref<624x128xf32, #tpu.memory_space<hbm>>
        %dma_start3A_180 = arith.constant 0 : i32
        %dma_start3A_181 = tpu.memref_slice %arg7[%mul3A_63, %dma_start3A_180] : memref<10000x128xf32, #tpu.memory_space<vmem_shared>> -> memref<624x128xf32, #tpu.memory_space<vmem_shared>>
        tpu.enqueue_dma source(%dma_start3A_181 : memref<624x128xf32, #tpu.memory_space<vmem_shared>>) target(%dma_start3A_179 : memref<624x128xf32, #tpu.memory_space<hbm>>) target_semaphore(%run_scoped3A_176 : memref<!tpu.dma_semaphore, #tpu.memory_space<semaphore_mem>>)
        %dma_wait3A_182 = arith.constant 0 : i32
        %dma_wait3A_183 = tpu.memref_slice %arg4[%arg0, %mul3A_63, %dma_wait3A_182] : memref<2x10000x128xf32, #tpu.memory_space<hbm>> -> memref<1x624x128xf32, #tpu.memory_space<hbm>>
        %dma_wait3A_184 = tpu.memref_squeeze %dma_wait3A_183 : memref<1x624x128xf32, #tpu.memory_space<hbm>> -> memref<624x128xf32, #tpu.memory_space<hbm>>
        %dma_wait3A_185 = arith.constant 0 : i32
        %dma_wait3A_186 = tpu.memref_slice %arg7[%mul3A_63, %dma_wait3A_185] : memref<10000x128xf32, #tpu.memory_space<vmem_shared>> -> memref<624x128xf32, #tpu.memory_space<vmem_shared>>
        tpu.wait_dma2 semaphore(%run_scoped3A_176 : memref<!tpu.dma_semaphore, #tpu.memory_space<semaphore_mem>>) src(%dma_wait3A_186 : memref<624x128xf32, #tpu.memory_space<vmem_shared>>) dst(%dma_wait3A_184 : memref<624x128xf32, #tpu.memory_space<hbm>>)
        tpu.yield
      }) : () -> ()
    } else {
    }
    %eq3A_171 = arith.constant 15 : i32
    %eq3A_172 = arith.cmpi eq, %arg1, %eq3A_171 : i32
    %convert_element_type3A_173 = arith.extui %eq3A_172 : i1 to i32
    %cond3A_174 = arith.constant 0 : i32
    %cond3A_175 = arith.cmpi ne, %convert_element_type3A_173, %cond3A_174 : i32
    scf.if %cond3A_175 {
      "tpu.region"() ({
        %run_scoped3A_176 = tpu.sem_alloc : memref<!tpu.dma_semaphore, #tpu.memory_space<semaphore_mem>>
        %dma_start3A_177 = arith.constant 0 : i32
        %dma_start3A_178 = tpu.memref_slice %arg4[%arg0, %mul3A_63, %dma_start3A_177] : memref<2x10000x128xf32, #tpu.memory_space<hbm>> -> memref<1x640x128xf32, #tpu.memory_space<hbm>>
        %dma_start3A_179 = tpu.memref_squeeze %dma_start3A_178 : memref<1x640x128xf32, #tpu.memory_space<hbm>> -> memref<640x128xf32, #tpu.memory_space<hbm>>
        %dma_start3A_180 = arith.constant 0 : i32
        %dma_start3A_181 = tpu.memref_slice %arg7[%mul3A_63, %dma_start3A_180] : memref<10000x128xf32, #tpu.memory_space<vmem_shared>> -> memref<640x128xf32, #tpu.memory_space<vmem_shared>>
        tpu.enqueue_dma source(%dma_start3A_181 : memref<640x128xf32, #tpu.memory_space<vmem_shared>>) target(%dma_start3A_179 : memref<640x128xf32, #tpu.memory_space<hbm>>) target_semaphore(%run_scoped3A_176 : memref<!tpu.dma_semaphore, #tpu.memory_space<semaphore_mem>>)
        %dma_wait3A_182 = arith.constant 0 : i32
        %dma_wait3A_183 = tpu.memref_slice %arg4[%arg0, %mul3A_63, %dma_wait3A_182] : memref<2x10000x128xf32, #tpu.memory_space<hbm>> -> memref<1x640x128xf32, #tpu.memory_space<hbm>>
        %dma_wait3A_184 = tpu.memref_squeeze %dma_wait3A_183 : memref<1x640x128xf32, #tpu.memory_space<hbm>> -> memref<640x128xf32, #tpu.memory_space<hbm>>
        %dma_wait3A_185 = arith.constant 0 : i32
        %dma_wait3A_186 = tpu.memref_slice %arg7[%mul3A_63, %dma_wait3A_185] : memref<10000x128xf32, #tpu.memory_space<vmem_shared>> -> memref<640x128xf32, #tpu.memory_space<vmem_shared>>
        tpu.wait_dma2 semaphore(%run_scoped3A_176 : memref<!tpu.dma_semaphore, #tpu.memory_space<semaphore_mem>>) src(%dma_wait3A_186 : memref<640x128xf32, #tpu.memory_space<vmem_shared>>) dst(%dma_wait3A_184 : memref<640x128xf32, #tpu.memory_space<hbm>>)
        tpu.yield
      }) : () -> ()
    } else {
    }
    return
  }
}

</mosaic_0001>

<sc_bundles>
// kernel: _sc_agg.3.cloned.1.call-start
scs
__scs_entry_jumppad:
0x0: {  	(pc) =	sbr.rel $0x88, $3  }
0x1: {  	(tag) =	ssettag $0x0;
	lr =	simm.s32 $0x1  }
0x2: {  	[smem:$0x3F9F] =	sst lr;
	_ =	strace $0xD0000000  }
0x3: {  	_ = 	snop  }
0x4: {  	_ = 	snop  }
0x5: {  	_ = 	snop  }
0x6: {  	_ = 	snop  }
0x7: {  	_ = 	snop  }
__scs_overlays_trampoline_lowered:
0x8: {  	[smem:$0x3FAE] =	sst s0  }
0x9: {  	[smem:$0x3FAF] =	sst s1  }
0xa: {  	[smem:$0x3FB0] =	sst s2  }
0xb: {  	[smem:$0x3FB1] =	sst s3  }
0xc: {  	[smem:$0x3FB2] =	sst s4  }
0xd: {  	[smem:$0x3FB3] =	sst s5  }
0xe: {  	[smem:$0x3FB4] =	sst s6  }
0xf: {  	[smem:$0x3FB5] =	sst s7  }
0x10: {  	[smem:$0x3FB6] =	sst s8  }
0x11: {  	[smem:$0x3FB7] =	sst s9;
	s0 =	simm.s32 @!p0 $0x0  }
0x12: {  	s1 =	sld [smem:$0x3F9D];
	s0 =	simm.s32 @p0 $0x1  }
0x13: {  	[smem:$0x3FB8] =	sst s0;
	s0 =	simm.s32 @!p1 $0x0  }
0x14: {  	s2 =	sld [smem:$0x3F9C];
	s0 =	simm.s32 @p1 $0x1  }
0x15: {  	[smem:$0x3FB9] =	sst s0;
	s0 =	simm.s32 @!p2 $0x0  }
0x16: {  	s3 =	sld [smem:$0x3FDB];
	s0 =	simm.s32 @p2 $0x1  }
0x17: {  	s4 =	simm.s32 $0x1BF5;
	[smem:$0x3FBB] =	sst s0  }
0x18: {  	s0 =	sld [smem:$0x3F9E];
	_ =	swait.ge [sflag:s4], $0x0  }
0x19: {  	s7 =	sld [smem:$0x3F9F]  }
0x1a: {  	s8 =	sadd.s32 $0xFFFFE003, lr  }
0x1b: {  	s9 =	sadd.s32 $0xFFFFFEF7, lr;
	s5 =	simm.s32 $0xFFFFFFFF;
	p2 =	slt.u32 s8, $0xFFFFF086  }
0x1c: {  	p1 =	slt.u32 s9, $0xF7A;
	s5 =	simm.s32 @!p2 $0x0  }
0x1d: {  	s5 =	simm.s32 @p1 $0x1;
	p0 =	seq.s32 s7, s2  }
0x1e: {  	s7 =	smul.u32 @!p0 $0xF7A, s2;
	p2 =	seq.s32 @!p0 s5, $0x0  }
0x1f: {  	s9 =	smul.u32 $0xF7A, s1;
	s8 =	simm.s32 @!p0 $0x1BF5;
	p2 =	por !p2, p0  }
0x20: {  	[sflag:s8] =	ssyncset.s32 @!p0 $0xFFFFF086;
	s6 =	sadd.s32 @!p0 s3, s7;
	s7 =	simm.s32 @!p0 $0x108  }
0x21: {  	s3 =	sadd.s32 s3, s9;
	s6 =	sadd.s32 @!p0 $0x88, s6;
	s7 =	simm.s32 @p2 $0x1082  }
0x22: {  	[simem:s7], [sflag:s8] =	dma.local @!p0 [hbm:s6], $0xF7A  }
0x23: {  	s9 =	sor.u32 $0xD0000000, s2;
	s6 =	simm.s32 $0x108;
	_ =	swait.ge @!p0 [sflag:s8], $0x0  }
0x24: {  	s3 =	sadd.s32 $0x88, s3;
	s6 =	simm.s32 @!p1 $0x1082;
	[sflag:s4] =	ssyncset.s32 $0xFFFFF086  }
0x25: {  	[simem:s6], [sflag:s4] =	dma.local [hbm:s3], $0xF7A  }
0x26: {  	[smem:$0x3F9F] =	sst s1;
	(tag) =	ssettag s2;
	_ =	strace s9  }
0x27: {  	s1 =	sld [smem:$0x3FAF]  }
0x28: {  	s2 =	sld [smem:$0x3FB0]  }
0x29: {  	s4 =	sld [smem:$0x3FB2]  }
0x2a: {  	p0 =	seq.s32 s5, $0x0;
	s5 =	sld [smem:$0x3FB3]  }
0x2b: {  	s6 =	sld [smem:$0x3FB4]  }
0x2c: {  	s7 =	sld [smem:$0x3FB5]  }
0x2d: {  	s3 =	simm.s32 $0x108;
	s8 =	sld [smem:$0x3FB6]  }
0x2e: {  	s3 =	simm.s32 @!p0 $0x1082;
	s9 =	sld [smem:$0x3FB7]  }
0x2f: {  	lr =	sadd.s32 s0, s3;
	s0 =	sld [smem:$0x3FAE]  }
0x30: {  	s3 =	sld [smem:$0x3FB1]  }
0x31: {  	[smem:$0x3FBA] =	sst s10  }
0x32: {  	s10 =	sld [smem:$0x3FB8];
	_ =	sdelay $0x3  }
0x33: {  	p0 =	seq.s32 s10, $0x1;
	s10 =	sld [smem:$0x3FBA];
	_ =	sdelay $0x3  }
0x34: {  	[smem:$0x3FBA] =	sst s10  }
0x35: {  	s10 =	sld [smem:$0x3FB9];
	_ =	sdelay $0x3  }
0x36: {  	p1 =	seq.s32 s10, $0x1;
	s10 =	sld [smem:$0x3FBA];
	_ =	sdelay $0x3  }
0x37: {  	[smem:$0x3FBA] =	sst s10  }
0x38: {  	s10 =	sld [smem:$0x3FBB]  }
0x39: {  	_ = 	snop;
	(pc) =	sbr.ind lr, $3  }
0x3a: {  	_ = 	snop  }
0x3b: {  	_ = 	snop  }
0x3c: {  	p2 =	seq.s32 s10, $0x1;
	s10 =	sld [smem:$0x3FBA]  }
0x3d: {  	_ =	shalt  }
0x3e: {  	_ =	shalt  }
0x3f: {  	_ =	shalt  }
0x40: {  	_ =	shalt  }
0x41: {  	_ =	shalt  }
0x42: {  	_ =	shalt  }
0x43: {  	_ =	shalt  }
0x44: {  	_ =	shalt  }
0x45: {  	_ =	shalt  }
0x46: {  	_ =	shalt  }
0x47: {  	_ =	shalt  }
0x48: {  	_ =	shalt  }
0x49: {  	_ =	shalt  }
0x4a: {  	_ =	shalt  }
0x4b: {  	_ =	shalt  }
0x4c: {  	_ =	shalt  }
0x4d: {  	_ =	shalt  }
0x4e: {  	_ =	shalt  }
0x4f: {  	_ =	shalt  }
0x50: {  	_ =	shalt  }
0x51: {  	_ =	shalt  }
0x52: {  	_ =	shalt  }
0x53: {  	_ =	shalt  }
0x54: {  	_ =	shalt  }
0x55: {  	_ =	shalt  }
0x56: {  	_ =	shalt  }
0x57: {  	_ =	shalt  }
0x58: {  	_ =	shalt  }
0x59: {  	_ =	shalt  }
0x5a: {  	_ =	shalt  }
0x5b: {  	_ =	shalt  }
0x5c: {  	_ =	shalt  }
0x5d: {  	_ =	shalt  }
0x5e: {  	_ =	shalt  }
0x5f: {  	_ =	shalt  }
0x60: {  	_ =	shalt  }
0x61: {  	_ =	shalt  }
0x62: {  	_ =	shalt  }
0x63: {  	_ =	shalt  }
0x64: {  	_ =	shalt  }
0x65: {  	_ =	shalt  }
0x66: {  	_ =	shalt  }
0x67: {  	_ =	shalt  }
0x68: {  	_ =	shalt  }
0x69: {  	_ =	shalt  }
0x6a: {  	_ =	shalt  }
0x6b: {  	_ =	shalt  }
0x6c: {  	_ =	shalt  }
0x6d: {  	_ =	shalt  }
0x6e: {  	_ =	shalt  }
0x6f: {  	_ =	shalt  }
0x70: {  	_ =	shalt  }
0x71: {  	_ =	shalt  }
0x72: {  	_ =	shalt  }
0x73: {  	_ =	shalt  }
0x74: {  	_ =	shalt  }
0x75: {  	_ =	shalt  }
0x76: {  	_ =	shalt  }
0x77: {  	_ =	shalt  }
0x78: {  	_ =	shalt  }
0x79: {  	_ =	shalt  }
0x7a: {  	_ =	shalt  }
0x7b: {  	_ =	shalt  }
0x7c: {  	_ =	shalt  }
0x7d: {  	_ =	shalt  }
0x7e: {  	_ =	shalt  }
0x7f: {  	_ =	shalt  }
0x80: {  	_ =	shalt  }
0x81: {  	_ =	shalt  }
0x82: {  	_ =	shalt  }
0x83: {  	_ =	shalt  }
0x84: {  	_ =	shalt  }
0x85: {  	_ =	shalt  }
0x86: {  	_ =	shalt  }
0x87: {  	_ =	shalt  }
.Lfunc_end0:
.L_simem_size_0:
called_computation_lowered:
.L_overlay_start_0:
0x88: {  	s2 =	sld [smem:$0x3FD9]  }
0x89: {  	s3 =	sld [smem:$0x3FFE];
	_ =	sdelay $0x1  }
0x8a: {  	s1 =	srdreg.scid  }
0x8b: {  	s0 =	sand.u32 $0x1, s1  }
0x8c: {  	s18 =	sshll.u32 s0, $0xA;
	s2 =	sadd.s32 s3, s2  }
0x8d: {  	s2 =	sadd.s32 s2, s18  }
0x8e: {  	[smem:$0x3FC6] =	sst s2  }
0x8f: {  	_ = 	snop  }
0x90: {  	s2 =	sld [smem:$0x3FC9]  }
0x91: {  	s19 =	sld [smem:$0x3FC8]  }
0x92: {  	s4 =	sld [smem:$0x3FD0];
	(tm) =	ssettm $0x1  }
0x93: {  	s5 =	sld [smem:$0x3FFB];
	_ =	sdelay $0x3  }
0x94: {  	_ =	strace s5  }
0x95: {  	s5 =	sld [smem:$0x3FFC];
	_ =	sdelay $0x3  }
0x96: {  	_ =	strace s5  }
0x97: {  	s5 =	sld [smem:$0x3FFD];
	_ =	sdelay $0x3  }
0x98: {  	_ =	strace s5  }
0x99: {  	_ =	strace $0x8FFFFFFF  }
0x9a: {  	s20 =	sld [smem:$0x3FDB];
	_ =	sdelay $0x1  }
0x9b: {  	s6 =	simm.s32 $_scs_section_size  }
0x9c: {  	s7 =	simm.s32 $_size__tile_overlayer_lowered;
	s8 =	simm.s32 $_tile_overlayer_lowered  }
0x9d: {  	s23 =	simm.s32 $0x1BFF;
	s22 =	sshll.u32 s8, $0x1;
	s5 =	sadd.s32 s6, s20  }
0x9e: {  	s9 =	simm.s32 $0x0;
	s21 =	sshll.u32 s7, $0x1;
	s7 =	sadd.s32 s22, s5  }
0x9f: {  	[timem:s9], [sflag:s23] =	dma.local [hbm:s7], s21  }
0xa0: {  	_ =	swait.ge [sflag:s23], s21  }
0xa1: {  	s6 =	ssub.s32 $0x0, s21;
	[sflag:s23] =	ssyncset.done $0x0  }
0xa2: {  	[sflag:s23] =	ssyncadd.s32 s6;
	_ =	sdelay $0x1  }
0xa3: {  	s24 =	simm.s32 $0x1B8B  }
0xa4: {  	_ =	swait.ge [sflag:s24], $0x1  }
0xa5: {  	[sflag:s24] =	ssyncset.done $0x0  }
0xa6: {  	s25 =	simm.s32 $0x1B8E;
	[sflag:s24] =	ssyncadd.s32 $0xFFFFFFFF  }
0xa7: {  	s26 =	simm.s32 $execute0_lowered;
	[smem:$0x3FD2] =	sst s25  }
0xa8: {  	s6 =	sshll.u32 s26, $0x1;
	_ =	strace $0x80000046;
	[dreg:$0x1] =	wrdreg $0xFFFFFFFF  }
0xa9: {  	s28 =	simm.s32 $_size_execute0_lowered;
	s5 =	sadd.s32 s5, s6;
	[dreg:$0x0] =	wrdreg $0x0  }
0xaa: {  	s6 =	sshll.u32 s28, $0x1;
	[dreg:$0x2] =	wrdreg s5  }
0xab: {  	[dreg:$0x3] =	wrdreg s6  }
0xac: {  	[dreg:$0x4] =	wrdreg $0xC0  }
0xad: {  	_ =	task [dreg:s9], $0x5FFFF  }
0xae: {  	[dreg:$0x1] =	wrdreg $0xFFFFFFFF  }
0xaf: {  	[dreg:$0x0] =	wrdreg $0x60  }
0xb0: {  	[dreg:$0x2] =	wrdreg s2  }
0xb1: {  	[dreg:$0x3] =	wrdreg s19  }
0xb2: {  	[dreg:$0x4] =	wrdreg s4  }
0xb3: {  	[dreg:$0x5] =	wrdreg $0x84000  }
0xb4: {  	[dreg:$0x6] =	wrdreg $0x9  }
0xb5: {  	_ =	task.clear_ibuf [dreg:s9], $0x7FFFF;
	_ =	strace $0x90000046  }
0xb6: {  	s29 =	simm.s32 $0x9;
	_ =	strace $0x80000048  }
0xb7: {  	_ =	swait.ge [sflag:s29], $0x1  }
0xb8: {  	[sflag:s29] =	ssyncadd.s32 $0xFFFFFFFF  }
0xb9: {  	_ =	strace $0x90000048  }
0xba: {  	_ =	sfence  }
0xbb: {  	s30 =	sld [smem:$0x0];
	_ =	sdelay $0x2  }
0xbc: {  	s31 =	sshll.u32 s1, $0xD;
	s1 =	sshrl.u32 s1, $0x2  }
0xbd: {  	s3 =	sand.u32 $0x4000, s31;
	s1 =	sadd.s32 s1, s30  }
0xbe: {  	s0 =	sor.u32 s3, s0;
	s1 =	sshll.u32 s1, $0x11  }
0xbf: {  	s0 =	sor.u32 s1, s0  }
0xc0: {  	s0 =	sadd.s32 $0x8F2B, s0  }
0xc1: {  	[sflag:s0] =	ssyncadd.remote.s32 $0x1  }
0xc2: {  	_ =	sfence.sel $0xFFFF  }
0xc3: {  	[dreg:$0x0] =	wrdreg $0xFFFFFFFF;
	(pc) =	sbr.abs _section_cstart, $3  }
0xc4: {  	[dreg:$0x1] =	wrdreg $0xFFFFFFFF  }
0xc5: {  	_ =	task.clear_ibuf [dreg:s9], $0x2FFFF;
	_ =	strace $0x9FFFFFFF  }
0xc6: {  	(tm) =	ssettm $0x7FFFFFFF  }
0xc7: {  	_ =	shalt  }
tec
execute0_lowered:
.L_overlay_start_1:
0x0: {  	(tag) =	ssettag $0x1  }
0x1: {  	s1 =	rddreg [dreg:$0x0]  }
0x2: {  	s0 =	rddreg [dreg:$0x1]  }
0x3: {  	s4 =	rddreg [dreg:$0x2]  }
0x4: {  	s2 =	rddreg [dreg:$0x3];
	s5 =	srdreg.scid;
	s3 =	simm.s32 $0x0  }
0x5: {  	s13 =	stileid.u32;
	s28 =	simm.s32 $0x80;
	s31 =	simm.s32 $0x2  }
0x6: {  	s7 =	sand.u32 $0x1, s5;
	[smem:$0x7FF] =	sst s3;
	p0 =	slt.u32 s13, $0x2  }
0x7: {  	s9 =	sshll.u32 s13, $0x6;
	s5 =	simm.s32 $0x4F;
	s18 =	smul.u32 $0x4E000, s13  }
0x8: {  	s21 =	smul.u32 $0x13800, s13;
	s25 =	sadd.s32 $0x134800, s2;
	s26 =	sshll.u32 s13, $0x9  }
0x9: {  	s6 =	ssub.s32 $0x2, s7;
	_ =	strace $0x80000047;
	s10 =	sshll.u32 s7, $0x5  }
0xa: {  	s5 =	simm.s32 @!p0 $0x4E;
	s20 =	smul.u32 $0x138800, s7;
	[dreg:$0xb] =	wrdreg s25  }
0xb: {  	s7 =	sshll.u32 s7, $0x8;
	p0 =	seq.s32 s13, $0xF;
	s25 =	simm.s32 $0x4  }
0xc: {  	s8 =	sshrl.u32 s6, $0x1;
	s9 =	sor.u32 s10, s9;
	s19 =	sshrl.u32 s18, $0x2  }
0xd: {  	s7 =	sor.u32 s7, s26;
	s26 =	simm.s32 $0x1;
	s8 =	ssub.s32 s6, s8  }
0xe: {  	s6 =	sadd.s32 s0, s9;
	s10 =	sshrl.u32 s20, $0x3;
	s30 =	sor.u32 $0xA000, s7  }
0xf: {  	s7 =	sor.u32 $0x8000, s7;
	s9 =	sadd.s32 $0x400, s6;
	s11 =	sadd.s32 $0x800, s6  }
0x10: {  	s10 =	sadd.s32 s4, s10;
	s17 =	smax.u32 s8, $0x1;
	[dreg:$0x5] =	wrdreg s9  }
0x11: {  	[dreg:$0x6] =	wrdreg s11;
	s9 =	sadd.s32 s19, s2;
	s29 =	sadd.s32 $0x24900, s10  }
0x12: {  	s18 =	sadd.s32 $0xC00, s6;
	s12 =	sadd.s32 $0x4000, s9;
	[dreg:$0xd] =	wrdreg s29  }
0x13: {  	s7 =	sshrl.u32 s7, $0x3;
	s22 =	sadd.s32 $0x8000, s9;
	[dreg:$0x7] =	wrdreg s12  }
0x14: {  	s11 =	sadd.s32 s21, s20;
	s23 =	sadd.s32 $0xC000, s9;
	[dreg:$0x8] =	wrdreg s22  }
0x15: {  	s24 =	sadd.s32 $0x10000, s9;
	s11 =	sshrl.u32 s11, $0x3;
	[dreg:$0x9] =	wrdreg s23  }
0x16: {  	s20 =	sshll.u32 s5, $0x8;
	[dreg:$0xa] =	wrdreg s24;
	s4 =	sadd.s32 s4, s11  }
0x17: {  	s21 =	sadd.s32 s7, s0;
	[dreg:$0xc] =	wrdreg s4;
	s4 =	sshrl.u32 s30, $0x3  }
0x18: {  	s22 =	simm.s32 $0x100;
	s24 =	simm.s32 $0x400;
	s4 =	sadd.s32 s4, s0  }
0x19: {  	v0 =	vimm.f32 $0.0e+00;
	s23 =	simm.s32 $0x0;
	s0 =	simm.s32 $0x3;
	s19 =	ssub.s32 $0x400, s4  }
.LBB2_1:
0x1a: {  	[tilespmem:s3], [sflag:$0x1] =	stream.linear.gather [hbm4b:s6+s3], $0x100, $0x38;
	[tilespmem:$0x1BC80] =	vst v63  }
0x1b: {  	s4 =	rddreg [dreg:$0x5]  }
0x1c: {  	[tilespmem:s22], [sflag:$0x1] =	stream.linear.gather [hbm4b:s4+s3], $0x100, $0x38;
	[tilespmem:$0x1BC80] =	vst v63  }
0x1d: {  	s30 =	rddreg [dreg:$0x6];
	s7 =	simm.s32 $0x200  }
0x1e: {  	[tilespmem:s7], [sflag:$0x1] =	stream.linear.gather [hbm4b:s30+s3], $0x100, $0x38;
	[tilespmem:$0x1BC80] =	vst v63  }
0x1f: {  	s4 =	simm.s32 $0x0;
	s7 =	simm.s32 $0x200  }
.LBB2_2:
0x20: {  	p1 =	sne.s32 s7, $0xFE00;
	[tilespmem:s4+$0x470] =	vst v0  }
0x21: {  	[tilespmem:s4+$0x400] =	vst v0  }
0x22: {  	[tilespmem:s4+$0x410] =	vst v0  }
.Ltmp0:
0x23: {  	[tilespmem:s4+$0x420] =	vst v0;
	(pc) =	sbr.rel @p1 .LBB2_2-.Ltmp0, $4  }
0x24: {  	[tilespmem:s4+$0x430] =	vst v0  }
0x25: {  	[tilespmem:s4+$0x440] =	vst v0  }
0x26: {  	[tilespmem:s4+$0x450] =	vst v0  }
0x27: {  	[tilespmem:s4+$0x460] =	vst v0;
	s4 =	sshra.s32 s7, $0x2;
	s7 =	sadd.s32 $0x200, s7  }
0x28: {  	[tilespmem:s4+$0x470] =	vst v0  }
0x29: {  	[tilespmem:s4+$0x400] =	vst v0  }
0x2a: {  	[tilespmem:s4+$0x410] =	vst v0  }
0x2b: {  	[tilespmem:s4+$0x420] =	vst v0  }
0x2c: {  	[tilespmem:s4+$0x430] =	vst v0  }
0x2d: {  	[tilespmem:s4+$0x440] =	vst v0  }
0x2e: {  	[tilespmem:s4+$0x450] =	vst v0  }
0x2f: {  	[tilespmem:s4+$0x460] =	vst v0  }
0x30: {  	[spmem:s9] =	stream.linear.scatter [tilespmem:s24], [sflag:$0x4], $0x4000, $0x38;
	[tilespmem:$0x1BC80] =	vst v63  }
0x31: {  	_ =	swait.ge [sflag:s25], $0x4000  }
0x32: {  	[sflag:s25] =	ssyncset.done $0x0  }
0x33: {  	s12 =	rddreg [dreg:$0x7];
	[sflag:s25] =	ssyncadd.s32 $0xFFFFC000  }
0x34: {  	[spmem:s12] =	stream.linear.scatter [tilespmem:s24], [sflag:$0x4], $0x4000, $0x38;
	[tilespmem:$0x1BC80] =	vst v63  }
0x35: {  	_ =	swait.ge [sflag:s25], $0x4000  }
0x36: {  	[sflag:s25] =	ssyncset.done $0x0  }
0x37: {  	s13 =	rddreg [dreg:$0x8];
	[sflag:s25] =	ssyncadd.s32 $0xFFFFC000  }
0x38: {  	[spmem:s13] =	stream.linear.scatter [tilespmem:s24], [sflag:$0x4], $0x4000, $0x38;
	[tilespmem:$0x1BC80] =	vst v63  }
0x39: {  	_ =	swait.ge [sflag:s25], $0x4000  }
0x3a: {  	[sflag:s25] =	ssyncset.done $0x0  }
0x3b: {  	s14 =	rddreg [dreg:$0x9];
	[sflag:s25] =	ssyncadd.s32 $0xFFFFC000  }
0x3c: {  	[spmem:s14] =	stream.linear.scatter [tilespmem:s24], [sflag:$0x4], $0x4000, $0x38;
	[tilespmem:$0x1BC80] =	vst v63  }
0x3d: {  	_ =	swait.ge [sflag:s25], $0x4000  }
0x3e: {  	s4 =	simm.s32 @p0 $0x400;
	[sflag:s25] =	ssyncset.done $0x0  }
0x3f: {  	s29 =	simm.s32 @p0 $0x4;
	s7 =	rddreg [dreg:$0xb];
	[sflag:s25] =	ssyncadd.s32 $0xFFFFC000  }
0x40: {  	[spmem:s7] =	stream.linear.scatter @p0 [tilespmem:s4], [sflag:$0x4], $0x4000, $0x38;
	[tilespmem:$0x1BC80] =	vst v63  }
0x41: {  	_ =	swait.ge @p0 [sflag:s29], $0x4000  }
0x42: {  	[sflag:s29] =	ssyncset.done @p0 $0x0  }
0x43: {  	s4 =	simm.s32 @!p0 $0x400;
	s7 =	rddreg [dreg:$0xa];
	[sflag:s29] =	ssyncadd.s32 @p0 $0xFFFFC000  }
0x44: {  	[spmem:s7] =	stream.linear.scatter @!p0 [tilespmem:s4], [sflag:$0x4], $0x3800, $0x38;
	[tilespmem:$0x1BC80] =	vst v63  }
0x45: {  	s4 =	simm.s32 @!p0 $0x4  }
0x46: {  	_ =	swait.ge @!p0 [sflag:s4], $0x3800  }
0x47: {  	[sflag:s4] =	ssyncset.done @!p0 $0x0  }
0x48: {  	[sflag:s4] =	ssyncadd.s32 @!p0 $0xFFFFC800  }
0x49: {  	_ =	swait.ge [sflag:s26], $0x100  }
0x4a: {  	[sflag:s26] =	ssyncset.done $0x0  }
0x4b: {  	[sflag:s26] =	ssyncadd.s32 $0xFFFFFF00  }
0x4c: {  	[tilespmem:s24], [sflag:$0x2] =	stream.indirect.gather [hbm4b:s1+s28], $0x80, s3, s28, $0xb8;
	[tilespmem:$0x1BC80] =	vst v63  }
0x4d: {  	s15 =	simm.s32 $0x300;
	[bflag:$0x0] =	sbarrier.arrive $0xFFFF  }
0x4e: {  	[tilespmem:s15], [sflag:$0x1] =	stream.linear.gather [hbm4b:s18+s3], $0x100, $0x38;
	[tilespmem:$0x1BC80] =	vst v63  }
0x4f: {  	_ =	swait.ge [sflag:s26], $0x100  }
0x50: {  	[sflag:s26] =	ssyncset.done $0x0  }
0x51: {  	s16 =	simm.s32 $0x4400;
	[sflag:s26] =	ssyncadd.s32 $0xFFFFFF00  }
0x52: {  	[tilespmem:s16], [sflag:$0x2] =	stream.indirect.gather [hbm4b:s1+s28], $0x80, s22, s28, $0xb8;
	[tilespmem:$0x1BC80] =	vst v63  }
0x53: {  	_ =	swait.ge [sflag:s31], $0x4000  }
0x54: {  	s30 =	simm.s32 $0x300;
	p2 =	sle.u32 s5, $0x4;
	[sflag:s31] =	ssyncset.done $0x0  }
0x55: {  	p1 =	sne.s32 s20, $0x300;
	s11 =	sadd.s32 $0x400, s21;
	[sflag:s31] =	ssyncadd.s32 $0xFFFFC000  }
0x56: {  	[spmem:s2] =	stream.indirect.scatter.add.f32 [tilespmem:s24], [sflag:$0x3], $0x80, s28, s28, $0xb8;
	[tilespmem:$0x1BC80] =	vst v63  }
0x57: {  	s8 =	simm.s32 @!p2 $0x0;
	s12 =	simm.s32 $0x200;
	_ =	swait.ge [sflag:s0], $0x4000  }
0x58: {  	s12 =	sand.u32 $0x300, s12;
	s7 =	simm.s32 @!p2 $0x400;
	[sflag:s0] =	ssyncset.done $0x0  }
0x59: {  	s13 =	simm.s32 $0x8000;
	s10 =	sand.u32 @!p2 $0x300, s7;
	[sflag:s0] =	ssyncadd.s32 $0xFFFFC000  }
0x5a: {  	[tilespmem:s10], [sflag:$0x1] =	stream.linear.gather @!p2 [hbm4b:s21+s8], $0x100, $0x38;
	[tilespmem:$0x1BC80] =	vst v63  }
0x5b: {  	s13 =	sand.u32 $0x4000, s13;
	s14 =	simm.s32 $0x4000;
	_ =	swait.ge [sflag:s26], $0x100  }
0x5c: {  	s13 =	sor.u32 $0x400, s13;
	s14 =	sand.u32 $0x4000, s14;
	[sflag:s26] =	ssyncset.done $0x0  }
.Ltmp1:
0x5d: {  	s15 =	simm.s32 $0x100;
	[sflag:s26] =	ssyncadd.s32 $0xFFFFFF00;
	(pc) =	sbr.rel @!p1 .LBB2_5-.Ltmp1, $4  }
0x5e: {  	[tilespmem:s13], [sflag:$0x2] =	stream.indirect.gather [hbm4b:s1+s28], $0x80, s12, s28, $0xb8;
	[tilespmem:$0x1BC80] =	vst v63  }
0x5f: {  	s14 =	sor.u32 $0x400, s14;
	s15 =	sand.u32 $0x300, s15;
	_ =	swait.ge [sflag:s31], $0x4000  }
0x60: {  	s7 =	simm.s32 $0xC000;
	s15 =	sor.u32 $0x80, s15;
	[sflag:s31] =	ssyncset.done $0x0  }
0x61: {  	s8 =	sadd.s32 $0xFFFFFC00, s19;
	s10 =	simm.s32 $0x5;
	[sflag:s31] =	ssyncadd.s32 $0xFFFFC000  }
.LBB2_4:
0x62: {  	[spmem:s2] =	stream.indirect.scatter.add.f32 [tilespmem:s14], [sflag:$0x3], $0x80, s15, s28, $0xb8;
	[tilespmem:$0x1BC80] =	vst v63  }
0x63: {  	s14 =	smov.u32 s30;
	s15 =	smov.u32 s7;
	s12 =	smov.u32 s11  }
0x64: {  	s30 =	sadd.s32 $0x100, s30;
	_ =	swait.ge [sflag:s0], $0x4000  }
0x65: {  	p2 =	sge.u32 s10, s5;
	p1 =	sne.s32 s20, s30;
	[sflag:s0] =	ssyncset.done $0x0  }
0x66: {  	s13 =	sadd.s32 @!p2 $0x200, s14;
	s16 =	simm.s32 @!p2 $0x0;
	[sflag:s0] =	ssyncadd.s32 $0xFFFFC000  }
0x67: {  	s7 =	sadd.s32 $0x4000, s7;
	s11 =	sadd.s32 $0x400, s11;
	s13 =	sand.u32 @!p2 $0x300, s13  }
0x68: {  	[tilespmem:s13], [sflag:$0x1] =	stream.linear.gather @!p2 [hbm4b:s12+s16], $0x100, $0x38;
	[tilespmem:$0x1BC80] =	vst v63  }
0x69: {  	s8 =	sadd.s32 $0xFFFFFC00, s8;
	s10 =	sadd.s32 $0x1, s10;
	_ =	swait.ge [sflag:s26], $0x100  }
0x6a: {  	s13 =	sand.u32 $0x4000, s15;
	s12 =	sand.u32 $0x300, s14;
	[sflag:s26] =	ssyncset.done $0x0  }
.Ltmp2:
0x6b: {  	s13 =	sor.u32 $0x400, s13;
	[sflag:s26] =	ssyncadd.s32 $0xFFFFFF00;
	(pc) =	sbr.rel @p1 .LBB2_4-.Ltmp2, $4  }
0x6c: {  	[tilespmem:s13], [sflag:$0x2] =	stream.indirect.gather [hbm4b:s1+s28], $0x80, s12, s28, $0xb8;
	[tilespmem:$0x1BC80] =	vst v63  }
0x6d: {  	s15 =	sadd.s32 $0xFFFFC000, s15;
	s14 =	sadd.s32 $0xFFFFFF00, s14;
	_ =	swait.ge [sflag:s31], $0x4000  }
0x6e: {  	s15 =	sand.u32 $0x4000, s15;
	s16 =	sand.u32 $0x300, s14;
	[sflag:s31] =	ssyncset.done $0x0  }
0x6f: {  	s14 =	sor.u32 $0x400, s15;
	s15 =	sor.u32 $0x80, s16;
	[sflag:s31] =	ssyncadd.s32 $0xFFFFC000  }
.LBB2_5:
0x70: {  	[spmem:s2] =	stream.indirect.scatter.add.f32 [tilespmem:s14], [sflag:$0x3], $0x80, s15, s28, $0xb8;
	[tilespmem:$0x1BC80] =	vst v63  }
0x71: {  	p1 =	sge.u32 s10, s5;
	s16 =	sadd.s32 $0xFFFFFFFE, s10;
	_ =	swait.ge [sflag:s0], $0x4000  }
0x72: {  	s11 =	sadd.s32 @!p1 $0x200, s30;
	s8 =	ssub.s32 @!p1 $0x0, s8;
	[sflag:s0] =	ssyncset.done $0x0  }
0x73: {  	s14 =	simm.s32 @!p1 $0x0;
	s11 =	sand.u32 @!p1 $0x300, s11;
	[sflag:s0] =	ssyncadd.s32 $0xFFFFC000  }
0x74: {  	[tilespmem:s11], [sflag:$0x1] =	stream.linear.gather @!p1 [hbm4b:s8+s14], $0x100, $0x38;
	[tilespmem:$0x1BC80] =	vst v63  }
0x75: {  	p1 =	sge.u32 s16, s5  }
0x76: {  	s8 =	simm.s32 @!p1 $0x1  }
0x77: {  	_ =	swait.ge @!p1 [sflag:s8], $0x100  }
0x78: {  	s7 =	sand.u32 @!p1 $0x4000, s7;
	s10 =	simm.s32 @!p1 $0x80;
	[sflag:s8] =	ssyncset.done @!p1 $0x0  }
0x79: {  	s7 =	sor.u32 @!p1 $0x400, s7;
	[sflag:s8] =	ssyncadd.s32 @!p1 $0xFFFFFF00;
	s8 =	sand.u32 @!p1 $0x300, s30  }
0x7a: {  	[tilespmem:s7], [sflag:$0x2] =	stream.indirect.gather @!p1 [hbm4b:s1+s10], $0x80, s8, s10, $0xb8;
	[tilespmem:$0x1BC80] =	vst v63  }
0x7b: {  	_ =	swait.ge [sflag:s31], $0x4000  }
0x7c: {  	[sflag:s31] =	ssyncset.done $0x0  }
0x7d: {  	s30 =	sadd.s32 $0x80, s12;
	[sflag:s31] =	ssyncadd.s32 $0xFFFFC000  }
0x7e: {  	[spmem:s2] =	stream.indirect.scatter.add.f32 [tilespmem:s13], [sflag:$0x3], $0x80, s30, s28, $0xb8;
	[tilespmem:$0x1BC80] =	vst v63  }
0x7f: {  	_ =	swait.ge [sflag:s0], $0x4000  }
0x80: {  	[sflag:s0] =	ssyncset.done $0x0  }
0x81: {  	[sflag:s0] =	ssyncadd.s32 $0xFFFFC000  }
0x82: {  	[bflag:$0x0] =	sbarrier.arrive $0xFFFF  }
0x83: {  	s7 =	sshrl.u32 @p0 s9, $0x3;
	s8 =	simm.s32 @p0 $0x1FC4;
	s10 =	rddreg [dreg:$0xd]  }
0x84: {  	[hbm:s10], [sflag:s8] =	dma.local @p0 [spmem:s7], $0x2800  }
0x85: {  	s23 =	sadd.s32 $0x1, s23;
	s7 =	stileid.u32  }
0x86: {  	p1 =	sne.s32 s23, s17;
	_ =	swait.ge @p0 [sflag:s29], $0x2800;
	s7 =	sshll.u32 @!p0 s7, $0x6  }
0x87: {  	s8 =	sshrl.u32 @!p0 s9, $0x3;
	[sflag:s29] =	ssyncset.done @p0 $0x0;
	s7 =	sor.u32 @!p0 $0x1C04, s7  }
.Ltmp3:
0x88: {  	s10 =	rddreg [dreg:$0xc];
	[sflag:s29] =	ssyncadd.s32 @p0 $0xFFFFD800;
	(pc) =	sbr.rel @p1 .LBB2_1-.Ltmp3, $4  }
0x89: {  	[hbm:s10], [sflag:s7] =	dma.local @!p0 [spmem:s8], $0x2700  }
0x8a: {  	_ =	swait.ge @!p0 [sflag:s4], $0x2700  }
0x8b: {  	[sflag:s4] =	ssyncset.done @!p0 $0x0  }
0x8c: {  	[sflag:s4] =	ssyncadd.s32 @!p0 $0xFFFFD900  }
0x8d: {  	_ =	sfence.sel $0x180000  }
0x8e: {  	[bflag:$0x0] =	sbarrier.arrive $0xFFFF  }
0x8f: {  	_ =	strace $0x90000047  }
0x90: {  	s0 =	stileid.u32;
	[bflag:$0x2] =	sbarrier.arrive $0xFFFF  }
0x91: {  	p0 =	sne.s32 s0, $0x0;
	s0 =	rddreg [dreg:$0x4]  }
0x92: {  	s0 =	sadd.s32 @!p0 $0x100000, s0  }
0x93: {  	[sflag:s0] =	ssyncadd.tile.s32 @!p0 $0x1;
	_ =	shalt  }
.Lfunc_end2:
_tile_overlayer_lowered:
.L_overlay_start_2:
0x94: {  	(tag) =	ssettag $0x2  }
0x95: {  	s0 =	rddreg [dreg:$0x0];
	s2 =	stileid.u32  }
0x96: {  	s1 =	rddreg [dreg:$0x1];
	p0 =	sne.s32 s2, $0x0  }
0x97: {  	s3 =	rddreg [dreg:$0x2];
	[bflag:$0x3] =	sbarrier.arrive $0xFFFF;
	s2 =	simm.s32 @!p0 $0x1C04  }
0x98: {  	[timem:s3], [sflag:s2] =	dma.local @!p0 [hbm:s0], s1  }
0x99: {  	s0 =	simm.s32 @!p0 $0x4  }
0x9a: {  	_ =	swait.ge @!p0 [sflag:s0], s1  }
0x9b: {  	s1 =	ssub.s32 @!p0 $0x0, s1;
	[sflag:s0] =	ssyncset.done @!p0 $0x0  }
0x9c: {  	[sflag:s0] =	ssyncadd.s32 @!p0 s1  }
0x9d: {  	[bflag:$0x3] =	sbarrier.arrive $0xFFFF  }
0x9e: {  	_ =	shalt  }

</sc_bundles>
